<compile_context>
chip_gen: v7x
topology: tpu7x:2x2x1
jax: 0.10.2.dev20260603
libtpu: 0.0.44.dev20260713+nightly
codegen_flags: <defaults>
</compile_context>

<pallas_src>
import functools

import jax
import jax.numpy as jnp
from jax import lax
from jax.experimental import pallas as pl
from jax.experimental.pallas import tpu as pltpu
from jax.experimental.pallas import tpu_sc as plsc

_D = 128
_B = 16384
_BLK = 8192
_NC = 2
_NS = 16
_NW = _NC * _NS
_CHUNK = _B // _NW
_NQ = 4
_KEYS_PER_SUB = 25600
_TAB = 4 * _KEYS_PER_SUB
_QVEC = _B // _NQ // 16
_QLEN = _B // _NQ


def _sc_body(hidden, x, idx, h_old_out, xp_out,
             idx_v, idx_chunk_v, table_v, p0_v, p1_v, p2_v, p3_v,
             rows_v, xrows_v,
             tab0, tab1, tab2, tab3,
             s1, s2, s3, s4, s5):
    c = lax.axis_index("c")
    s = lax.axis_index("s")
    wid = s * _NC + c
    base = wid * _CHUNK
    half = _CHUNK // 2
    q = s & 3
    r = s >> 2

    pltpu.sync_copy(idx.at[pl.ds(base, _CHUNK)], idx_chunk_v)
    g0 = pltpu.async_copy(hidden.at[idx_chunk_v.at[pl.ds(0, half)]], rows_v, s1)
    g1 = pltpu.async_copy(hidden.at[idx_chunk_v.at[pl.ds(half, half)]], xrows_v, s2)

    pltpu.sync_copy(idx.at[pl.ds(q * _QLEN, _QLEN)], idx_v)

    neg1 = jnp.full((16,), -1, jnp.int32)

    def init_step(i, carry):
        table_v[pl.ds(i * 16, 16)] = neg1
        return carry

    with jax.named_scope("tab_init"):
        lax.fori_loop(0, _KEYS_PER_SUB // 16, init_step, 0, unroll=16)

    lo = r * _KEYS_PER_SUB
    jbase = q * _QLEN
    lane = lax.iota(jnp.int32, 16)
    lane_next = jnp.minimum(lane + 1, 15)
    is_lane15 = lane == 15

    def scan_step(i, carry):
        idx16 = idx_v[pl.ds(i * 16, 16)]
        comp = idx16 * _B + jbase + i * 16 + lane
        comp_s, _ = plsc.sort_key_val(comp, comp)
        key = lax.shift_right_arithmetic(comp_s, 14)
        nkey = key.at[lane_next].get(mode="promise_in_bounds")
        jj = comp_s & (_B - 1)
        last = (key != nkey) | is_lane15
        inr = (key >= lo) & (key < lo + _KEYS_PER_SUB)
        m = last & inr
        loc = jnp.where(m, key - lo, 0)
        plsc.store_scatter(table_v, [loc], jj, mask=m)
        return carry

    with jax.named_scope("dedup_scan"):
        lax.fori_loop(0, _QVEC, scan_step, 0, unroll=4)

    for qi, tq in enumerate((tab0, tab1, tab2, tab3)):
        @pl.when(q == qi)
        def _publish(tq=tq):
            pltpu.sync_copy(table_v, tq.at[pl.ds(lo, _KEYS_PER_SUB)])

    with jax.named_scope("h_drain"):
        g0.wait()
        w0 = pltpu.async_copy(rows_v, h_old_out.at[pl.ds(base, half)], s3)
        g1.wait()
        w1 = pltpu.async_copy(xrows_v, h_old_out.at[pl.ds(base + half, half)], s4)

    with jax.named_scope("pos_merge"):
        plsc.subcore_barrier()

        descs = []
        for tq, pq in ((tab0, p0_v), (tab1, p1_v), (tab2, p2_v), (tab3, p3_v)):
            descs.append(pltpu.async_copy(tq.at[idx_chunk_v], pq, s5))
        for d in descs:
            d.wait()

        def merge_step(i, carry):
            sl = pl.ds(i * 16, 16)
            m01 = jnp.maximum(p0_v[sl], p1_v[sl])
            m23 = jnp.maximum(p2_v[sl], p3_v[sl])
            p0_v[sl] = jnp.maximum(m01, m23)
            return carry

        lax.fori_loop(0, _CHUNK // 16, merge_step, 0)

    with jax.named_scope("xp_phase"):
        w0.wait()
        xa = pltpu.async_copy(x.at[p0_v.at[pl.ds(0, half)]], rows_v, s1)
        w1.wait()
        xb = pltpu.async_copy(x.at[p0_v.at[pl.ds(half, half)]], xrows_v, s2)
        xa.wait()
        wxa = pltpu.async_copy(rows_v, xp_out.at[pl.ds(base, half)], s3)
        xb.wait()
        pltpu.sync_copy(xrows_v, xp_out.at[pl.ds(base + half, half)])
        wxa.wait()


def _sc_gather(hidden, x, idx):
    mesh = plsc.VectorSubcoreMesh(core_axis_name="c", subcore_axis_name="s")
    f = functools.partial(
        pl.kernel,
        out_type=[
            jax.ShapeDtypeStruct((_B, _D), jnp.float32),
            jax.ShapeDtypeStruct((_B, _D), jnp.float32),
        ],
        mesh=mesh,
        scratch_types=[
            pltpu.VMEM((_QLEN,), jnp.int32),
            pltpu.VMEM((_CHUNK,), jnp.int32),
            pltpu.VMEM((_KEYS_PER_SUB,), jnp.int32),
            pltpu.VMEM((_CHUNK,), jnp.int32),
            pltpu.VMEM((_CHUNK,), jnp.int32),
            pltpu.VMEM((_CHUNK,), jnp.int32),
            pltpu.VMEM((_CHUNK,), jnp.int32),
            pltpu.VMEM((_CHUNK // 2, _D), jnp.float32),
            pltpu.VMEM((_CHUNK // 2, _D), jnp.float32),
            pltpu.VMEM_SHARED((_TAB,), jnp.int32),
            pltpu.VMEM_SHARED((_TAB,), jnp.int32),
            pltpu.VMEM_SHARED((_TAB,), jnp.int32),
            pltpu.VMEM_SHARED((_TAB,), jnp.int32),
            pltpu.SemaphoreType.DMA,
            pltpu.SemaphoreType.DMA,
            pltpu.SemaphoreType.DMA,
            pltpu.SemaphoreType.DMA,
            pltpu.SemaphoreType.DMA,
        ],
        compiler_params=pltpu.CompilerParams(needs_layout_passes=False),
    )(_sc_body)
    return f(hidden, x, idx)


def _gru_body(xp_ref, h_ref, w_all_ref, b_all_ref, out_ref):
    xp = xp_ref[...]
    h = h_ref[...]
    xh = jnp.concatenate([xp, h], axis=1).astype(jnp.bfloat16)
    g = jnp.dot(xh, w_all_ref[...], preferred_element_type=jnp.float32) + b_all_ref[...]
    r = jax.nn.sigmoid(g[:, :_D])
    z = jax.nn.sigmoid(g[:, _D:2 * _D])
    n = jnp.tanh(g[:, 2 * _D:3 * _D] + r * g[:, 3 * _D:])
    out_ref[...] = (1.0 - z) * n + z * h


def _gru_pallas(xp, h_old, w_all, b_all):
    b = xp.shape[0]
    grid = (b // _BLK,)
    return pl.pallas_call(
        _gru_body,
        grid=grid,
        in_specs=[
            pl.BlockSpec((_BLK, _D), lambda i: (i, 0)),
            pl.BlockSpec((_BLK, _D), lambda i: (i, 0)),
            pl.BlockSpec((2 * _D, 4 * _D), lambda i: (0, 0)),
            pl.BlockSpec((1, 4 * _D), lambda i: (0, 0)),
        ],
        out_specs=pl.BlockSpec((_BLK, _D), lambda i: (i, 0)),
        out_shape=jax.ShapeDtypeStruct((b, _D), jnp.float32),
    )(xp, h_old, w_all, b_all)


def kernel(hidden, x, idx, W_ih, W_hh, b_ih, b_hh):
    idx = idx.astype(jnp.int32)
    h_old, xp = _sc_gather(hidden, x, idx)
    zero = jnp.zeros((_D, _D), jnp.float32)
    w_all = jnp.concatenate([
        jnp.concatenate([W_ih[:2 * _D].T, W_ih[2 * _D:].T, zero], axis=1),
        jnp.concatenate([W_hh[:2 * _D].T, zero, W_hh[2 * _D:].T], axis=1),
    ], axis=0).astype(jnp.bfloat16)
    b_all = jnp.concatenate(
        [b_ih[:2 * _D] + b_hh[:2 * _D], b_ih[2 * _D:], b_hh[2 * _D:]])[None, :]
    return _gru_pallas(xp, h_old, w_all, b_all)

# --- scband reference (transcript-rebuilt; emitter-appended) ---
"""Pipeline reference for scband-enhanced-temporal-gnn-76836964926296 (READ-ONLY COPY).

The authoritative reference and input builder live on the scoring server;
editing this copy changes nothing except your own understanding.
"""

import jax, jax.numpy as jnp
import numpy as np

NUM_NODES = 100000
DIM = 128
BATCH = 16384


def gru_cell(x, h, W_ih, W_hh, b_ih, b_hh):
    # Faithful translation of torch.nn.GRUCell
    gi = x @ W_ih.T + b_ih
    gh = h @ W_hh.T + b_hh
    i_r, i_z, i_n = jnp.split(gi, 3, axis=-1)
    h_r, h_z, h_n = jnp.split(gh, 3, axis=-1)
    r = jax.nn.sigmoid(i_r + h_r)
    z = jax.nn.sigmoid(i_z + h_z)
    n = jnp.tanh(i_n + r * h_n)
    return (1.0 - z) * n + z * h


def setup_inputs(seed: int = 0) -> dict:
    key = jax.random.key(seed)
    ks = jax.random.split(key, 8)
    hidden = jax.random.normal(ks[0], (NUM_NODES, DIM), dtype=jnp.float32) * 0.02
    x = jax.random.normal(ks[1], (BATCH, DIM), dtype=jnp.float32)
    idx = jax.random.randint(ks[2], (BATCH,), 0, NUM_NODES, dtype=jnp.int64 if jax.config.jax_enable_x64 else jnp.int32)
    s = 1.0 / np.sqrt(DIM)
    W_ih = jax.random.uniform(ks[3], (3 * DIM, DIM), minval=-s, maxval=s, dtype=jnp.float32)
    W_hh = jax.random.uniform(ks[4], (3 * DIM, DIM), minval=-s, maxval=s, dtype=jnp.float32)
    b_ih = jax.random.uniform(ks[5], (3 * DIM,), minval=-s, maxval=s, dtype=jnp.float32)
    b_hh = jax.random.uniform(ks[6], (3 * DIM,), minval=-s, maxval=s, dtype=jnp.float32)
    return {"hidden": hidden, "x": x, "idx": idx, "W_ih": W_ih, "W_hh": W_hh, "b_ih": b_ih, "b_hh": b_hh}


def reference(hidden, x, idx, W_ih, W_hh, b_ih, b_hh):
    # RecurrentMemory.write: gather per-node hidden state, apply GRUCell,
    # scatter-overwrite the updated states back into the memory table,
    # then read the updated rows back out (duplicate idx -> last write wins,
    # matching sequential in-place semantics up to write order).
    h_old = hidden[idx]                      # gather [B, D]
    h_new = gru_cell(x, h_old, W_ih, W_hh, b_ih, b_hh)
    new_hidden = hidden.at[idx].set(h_new)   # scatter-overwrite [M, D]
    out = new_hidden[idx]                    # gather-back read [B, D]
    return out

if __name__ == "__main__":
    import jax
    _d = setup_inputs()
    print(jax.jit(kernel)(*tuple(_d.values())))

</pallas_src>

<mosaic_0001>
#map = affine_map<(d0, d1) -> (0, 0)>
#map1 = affine_map<(d0, d1) -> (0)>
module attributes {stable_mosaic.version = 14 : i64} {
  func.func @_sc_body(%arg0: i32, %arg1: i32, %arg2: memref<100000x128xf32, #tpu.memory_space<hbm>>, %arg3: memref<16384x128xf32, #tpu.memory_space<hbm>>, %arg4: memref<16384xi32, #tpu.memory_space<hbm>>, %arg5: memref<16384x128xf32, #tpu.memory_space<hbm>>, %arg6: memref<16384x128xf32, #tpu.memory_space<hbm>>, %arg7: memref<4096xi32, #tpu.memory_space<vmem>>, %arg8: memref<512xi32, #tpu.memory_space<vmem>>, %arg9: memref<25600xi32, #tpu.memory_space<vmem>>, %arg10: memref<512xi32, #tpu.memory_space<vmem>>, %arg11: memref<512xi32, #tpu.memory_space<vmem>>, %arg12: memref<512xi32, #tpu.memory_space<vmem>>, %arg13: memref<512xi32, #tpu.memory_space<vmem>>, %arg14: memref<256x128xf32, #tpu.memory_space<vmem>>, %arg15: memref<256x128xf32, #tpu.memory_space<vmem>>, %arg16: memref<102400xi32, #tpu.memory_space<vmem_shared>>, %arg17: memref<102400xi32, #tpu.memory_space<vmem_shared>>, %arg18: memref<102400xi32, #tpu.memory_space<vmem_shared>>, %arg19: memref<102400xi32, #tpu.memory_space<vmem_shared>>, %arg20: memref<!tpu.dma_semaphore, #tpu.memory_space<semaphore_mem>>, %arg21: memref<!tpu.dma_semaphore, #tpu.memory_space<semaphore_mem>>, %arg22: memref<!tpu.dma_semaphore, #tpu.memory_space<semaphore_mem>>, %arg23: memref<!tpu.dma_semaphore, #tpu.memory_space<semaphore_mem>>, %arg24: memref<!tpu.dma_semaphore, #tpu.memory_space<semaphore_mem>>) attributes {dimension_semantics = [#tpu.dimension_semantics<core_parallel>, #tpu.dimension_semantics<subcore_parallel>], iteration_bounds = array<i64: 2, 16>, scalar_prefetch = 0 : i64, scratch_operands = 18 : i64, tpu.core_type = #tpu.core_type<sc_vector_subcore>, window_params = [{transform_indices = #map}, {transform_indices = #map}, {transform_indices = #map1}, {transform_indices = #map}, {transform_indices = #map}]} {
    %mul3A = arith.constant 2 : i32
    %mul3A_0 = arith.muli %arg1, %mul3A : i32
    %add3A = arith.addi %mul3A_0, %arg0 : i32
    %mul3A_1 = arith.constant 512 : i32
    %mul3A_2 = arith.muli %add3A, %mul3A_1 : i32
    %and3A = arith.constant 3 : i32
    %and3A_3 = arith.andi %arg1, %and3A : i32
    %shift_right_arithmetic3A = arith.constant 2 : i32
    %shift_right_arithmetic3A_4 = arith.shrsi %arg1, %shift_right_arithmetic3A : i32
    "tpu.region"() ({
      %run_scoped3A = tpu.sem_alloc : memref<!tpu.dma_semaphore, #tpu.memory_space<semaphore_mem>>
      %dma_start3A_136 = tpu.memref_slice %arg4[%mul3A_2] : memref<16384xi32, #tpu.memory_space<hbm>> -> memref<512xi32, #tpu.memory_space<hbm>>
      %dma_start3A_137 = tpu.memref_slice %arg4[%mul3A_2] : memref<16384xi32, #tpu.memory_space<hbm>> -> memref<512xi32, #tpu.memory_space<hbm>>
      tpu.enqueue_dma source(%dma_start3A_137 : memref<512xi32, #tpu.memory_space<hbm>>) target(%arg8 : memref<512xi32, #tpu.memory_space<vmem>>) target_semaphore(%run_scoped3A : memref<!tpu.dma_semaphore, #tpu.memory_space<semaphore_mem>>)
      %dma_wait3A_138 = tpu.memref_slice %arg4[%mul3A_2] : memref<16384xi32, #tpu.memory_space<hbm>> -> memref<512xi32, #tpu.memory_space<hbm>>
      %dma_wait3A_139 = tpu.memref_slice %arg4[%mul3A_2] : memref<16384xi32, #tpu.memory_space<hbm>> -> memref<512xi32, #tpu.memory_space<hbm>>
      tpu.wait_dma2 semaphore(%run_scoped3A : memref<!tpu.dma_semaphore, #tpu.memory_space<semaphore_mem>>) src(%dma_wait3A_139 : memref<512xi32, #tpu.memory_space<hbm>>) dst(%arg8 : memref<512xi32, #tpu.memory_space<vmem>>)
      tpu.yield
    }) : () -> ()
    %dma_start3A = arith.constant 0 : i32
    %dma_start3A_5 = tpu.memref_slice %arg8[%dma_start3A] : memref<512xi32, #tpu.memory_space<vmem>> -> memref<256xi32, #tpu.memory_space<vmem>>
    %dma_start3A_6 = arith.constant 0 : i32
    %dma_start3A_7 = arith.constant 0 : i32
    %dma_start3A_8 = tpu.memref_slice %arg2[%dma_start3A_6, %dma_start3A_7] : memref<100000x128xf32, #tpu.memory_space<hbm>> -> memref<100000x128xf32, #tpu.memory_space<hbm>>
    tpu.enqueue_indirect_dma source(%dma_start3A_8 : memref<100000x128xf32, #tpu.memory_space<hbm>>) target(%arg14 : memref<256x128xf32, #tpu.memory_space<vmem>>) offsets(%dma_start3A_5 : memref<256xi32, #tpu.memory_space<vmem>>) semaphore(%arg20 : memref<!tpu.dma_semaphore, #tpu.memory_space<semaphore_mem>>)
    %dma_start3A_9 = arith.constant 256 : i32
    %dma_start3A_10 = tpu.memref_slice %arg8[%dma_start3A_9] : memref<512xi32, #tpu.memory_space<vmem>> -> memref<256xi32, #tpu.memory_space<vmem>>
    %dma_start3A_11 = arith.constant 0 : i32
    %dma_start3A_12 = arith.constant 0 : i32
    %dma_start3A_13 = tpu.memref_slice %arg2[%dma_start3A_11, %dma_start3A_12] : memref<100000x128xf32, #tpu.memory_space<hbm>> -> memref<100000x128xf32, #tpu.memory_space<hbm>>
    tpu.enqueue_indirect_dma source(%dma_start3A_13 : memref<100000x128xf32, #tpu.memory_space<hbm>>) target(%arg15 : memref<256x128xf32, #tpu.memory_space<vmem>>) offsets(%dma_start3A_10 : memref<256xi32, #tpu.memory_space<vmem>>) semaphore(%arg21 : memref<!tpu.dma_semaphore, #tpu.memory_space<semaphore_mem>>)
    %mul3A_14 = arith.constant 4096 : i32
    %mul3A_15 = arith.muli %and3A_3, %mul3A_14 : i32
    "tpu.region"() ({
      %run_scoped3A = tpu.sem_alloc : memref<!tpu.dma_semaphore, #tpu.memory_space<semaphore_mem>>
      %dma_start3A_136 = tpu.memref_slice %arg4[%mul3A_15] : memref<16384xi32, #tpu.memory_space<hbm>> -> memref<4096xi32, #tpu.memory_space<hbm>>
      %dma_start3A_137 = tpu.memref_slice %arg4[%mul3A_15] : memref<16384xi32, #tpu.memory_space<hbm>> -> memref<4096xi32, #tpu.memory_space<hbm>>
      tpu.enqueue_dma source(%dma_start3A_137 : memref<4096xi32, #tpu.memory_space<hbm>>) target(%arg7 : memref<4096xi32, #tpu.memory_space<vmem>>) target_semaphore(%run_scoped3A : memref<!tpu.dma_semaphore, #tpu.memory_space<semaphore_mem>>)
      %dma_wait3A_138 = tpu.memref_slice %arg4[%mul3A_15] : memref<16384xi32, #tpu.memory_space<hbm>> -> memref<4096xi32, #tpu.memory_space<hbm>>
      %dma_wait3A_139 = tpu.memref_slice %arg4[%mul3A_15] : memref<16384xi32, #tpu.memory_space<hbm>> -> memref<4096xi32, #tpu.memory_space<hbm>>
      tpu.wait_dma2 semaphore(%run_scoped3A : memref<!tpu.dma_semaphore, #tpu.memory_space<semaphore_mem>>) src(%dma_wait3A_139 : memref<4096xi32, #tpu.memory_space<hbm>>) dst(%arg7 : memref<4096xi32, #tpu.memory_space<vmem>>)
      tpu.yield
    }) : () -> ()
    %broadcast_in_dim3A = arith.constant -1 : i32
    %broadcast_in_dim3A_16 = vector.broadcast %broadcast_in_dim3A : i32 to vector<16xi32>
    "tpu.trace_start"() <{level = 10 : i32, message = "tab_init"}> : () -> ()
    %scan3A = arith.constant 0 : i32
    %scan3A_17 = arith.constant 0 : i32
    %scan3A_18 = arith.constant 1600 : i32
    %scan3A_19 = arith.addi %scan3A_17, %scan3A_18 : i32
    %scan3A_20 = arith.constant 16 : i32
    scf.for %scan3A_136 = %scan3A_17 to %scan3A_19 step %scan3A_20  : i32 {
      %mul3A_137 = arith.constant 16 : i32
      %mul3A_138 = arith.muli %scan3A_136, %mul3A_137 : i32
      %swap3A = arith.index_cast %mul3A_138 : i32 to index
      %swap3A_139 = tpu.vector_load %arg9[%swap3A] {strides = array<i32>} : memref<25600xi32, #tpu.memory_space<vmem>>, vector<16xi32>,
      tpu.vector_store %arg9[%swap3A], %broadcast_in_dim3A_16 {strides = array<i32>} : memref<25600xi32, #tpu.memory_space<vmem>>, vector<16xi32>,
      %scan3A_140 = arith.constant 1 : i32
      %scan3A_141 = arith.addi %scan3A_136, %scan3A_140 : i32
      %mul3A_142 = arith.constant 16 : i32
      %mul3A_143 = arith.muli %scan3A_141, %mul3A_142 : i32
      %swap3A_144 = arith.index_cast %mul3A_143 : i32 to index
      %swap3A_145 = tpu.vector_load %arg9[%swap3A_144] {strides = array<i32>} : memref<25600xi32, #tpu.memory_space<vmem>>, vector<16xi32>,
      tpu.vector_store %arg9[%swap3A_144], %broadcast_in_dim3A_16 {strides = array<i32>} : memref<25600xi32, #tpu.memory_space<vmem>>, vector<16xi32>,
      %scan3A_146 = arith.constant 2 : i32
      %scan3A_147 = arith.addi %scan3A_136, %scan3A_146 : i32
      %mul3A_148 = arith.constant 16 : i32
      %mul3A_149 = arith.muli %scan3A_147, %mul3A_148 : i32
      %swap3A_150 = arith.index_cast %mul3A_149 : i32 to index
      %swap3A_151 = tpu.vector_load %arg9[%swap3A_150] {strides = array<i32>} : memref<25600xi32, #tpu.memory_space<vmem>>, vector<16xi32>,
      tpu.vector_store %arg9[%swap3A_150], %broadcast_in_dim3A_16 {strides = array<i32>} : memref<25600xi32, #tpu.memory_space<vmem>>, vector<16xi32>,
      %scan3A_152 = arith.constant 3 : i32
      %scan3A_153 = arith.addi %scan3A_136, %scan3A_152 : i32
      %mul3A_154 = arith.constant 16 : i32
      %mul3A_155 = arith.muli %scan3A_153, %mul3A_154 : i32
      %swap3A_156 = arith.index_cast %mul3A_155 : i32 to index
      %swap3A_157 = tpu.vector_load %arg9[%swap3A_156] {strides = array<i32>} : memref<25600xi32, #tpu.memory_space<vmem>>, vector<16xi32>,
      tpu.vector_store %arg9[%swap3A_156], %broadcast_in_dim3A_16 {strides = array<i32>} : memref<25600xi32, #tpu.memory_space<vmem>>, vector<16xi32>,
      %scan3A_158 = arith.constant 4 : i32
      %scan3A_159 = arith.addi %scan3A_136, %scan3A_158 : i32
      %mul3A_160 = arith.constant 16 : i32
      %mul3A_161 = arith.muli %scan3A_159, %mul3A_160 : i32
      %swap3A_162 = arith.index_cast %mul3A_161 : i32 to index
      %swap3A_163 = tpu.vector_load %arg9[%swap3A_162] {strides = array<i32>} : memref<25600xi32, #tpu.memory_space<vmem>>, vector<16xi32>,
      tpu.vector_store %arg9[%swap3A_162], %broadcast_in_dim3A_16 {strides = array<i32>} : memref<25600xi32, #tpu.memory_space<vmem>>, vector<16xi32>,
      %scan3A_164 = arith.constant 5 : i32
      %scan3A_165 = arith.addi %scan3A_136, %scan3A_164 : i32
      %mul3A_166 = arith.constant 16 : i32
      %mul3A_167 = arith.muli %scan3A_165, %mul3A_166 : i32
      %swap3A_168 = arith.index_cast %mul3A_167 : i32 to index
      %swap3A_169 = tpu.vector_load %arg9[%swap3A_168] {strides = array<i32>} : memref<25600xi32, #tpu.memory_space<vmem>>, vector<16xi32>,
      tpu.vector_store %arg9[%swap3A_168], %broadcast_in_dim3A_16 {strides = array<i32>} : memref<25600xi32, #tpu.memory_space<vmem>>, vector<16xi32>,
      %scan3A_170 = arith.constant 6 : i32
      %scan3A_171 = arith.addi %scan3A_136, %scan3A_170 : i32
      %mul3A_172 = arith.constant 16 : i32
      %mul3A_173 = arith.muli %scan3A_171, %mul3A_172 : i32
      %swap3A_174 = arith.index_cast %mul3A_173 : i32 to index
      %swap3A_175 = tpu.vector_load %arg9[%swap3A_174] {strides = array<i32>} : memref<25600xi32, #tpu.memory_space<vmem>>, vector<16xi32>,
      tpu.vector_store %arg9[%swap3A_174], %broadcast_in_dim3A_16 {strides = array<i32>} : memref<25600xi32, #tpu.memory_space<vmem>>, vector<16xi32>,
      %scan3A_176 = arith.constant 7 : i32
      %scan3A_177 = arith.addi %scan3A_136, %scan3A_176 : i32
      %mul3A_178 = arith.constant 16 : i32
      %mul3A_179 = arith.muli %scan3A_177, %mul3A_178 : i32
      %swap3A_180 = arith.index_cast %mul3A_179 : i32 to index
      %swap3A_181 = tpu.vector_load %arg9[%swap3A_180] {strides = array<i32>} : memref<25600xi32, #tpu.memory_space<vmem>>, vector<16xi32>,
      tpu.vector_store %arg9[%swap3A_180], %broadcast_in_dim3A_16 {strides = array<i32>} : memref<25600xi32, #tpu.memory_space<vmem>>, vector<16xi32>,
      %scan3A_182 = arith.constant 8 : i32
      %scan3A_183 = arith.addi %scan3A_136, %scan3A_182 : i32
      %mul3A_184 = arith.constant 16 : i32
      %mul3A_185 = arith.muli %scan3A_183, %mul3A_184 : i32
      %swap3A_186 = arith.index_cast %mul3A_185 : i32 to index
      %swap3A_187 = tpu.vector_load %arg9[%swap3A_186] {strides = array<i32>} : memref<25600xi32, #tpu.memory_space<vmem>>, vector<16xi32>,
      tpu.vector_store %arg9[%swap3A_186], %broadcast_in_dim3A_16 {strides = array<i32>} : memref<25600xi32, #tpu.memory_space<vmem>>, vector<16xi32>,
      %scan3A_188 = arith.constant 9 : i32
      %scan3A_189 = arith.addi %scan3A_136, %scan3A_188 : i32
      %mul3A_190 = arith.constant 16 : i32
      %mul3A_191 = arith.muli %scan3A_189, %mul3A_190 : i32
      %swap3A_192 = arith.index_cast %mul3A_191 : i32 to index
      %swap3A_193 = tpu.vector_load %arg9[%swap3A_192] {strides = array<i32>} : memref<25600xi32, #tpu.memory_space<vmem>>, vector<16xi32>,
      tpu.vector_store %arg9[%swap3A_192], %broadcast_in_dim3A_16 {strides = array<i32>} : memref<25600xi32, #tpu.memory_space<vmem>>, vector<16xi32>,
      %scan3A_194 = arith.constant 10 : i32
      %scan3A_195 = arith.addi %scan3A_136, %scan3A_194 : i32
      %mul3A_196 = arith.constant 16 : i32
      %mul3A_197 = arith.muli %scan3A_195, %mul3A_196 : i32
      %swap3A_198 = arith.index_cast %mul3A_197 : i32 to index
      %swap3A_199 = tpu.vector_load %arg9[%swap3A_198] {strides = array<i32>} : memref<25600xi32, #tpu.memory_space<vmem>>, vector<16xi32>,
      tpu.vector_store %arg9[%swap3A_198], %broadcast_in_dim3A_16 {strides = array<i32>} : memref<25600xi32, #tpu.memory_space<vmem>>, vector<16xi32>,
      %scan3A_200 = arith.constant 11 : i32
      %scan3A_201 = arith.addi %scan3A_136, %scan3A_200 : i32
      %mul3A_202 = arith.constant 16 : i32
      %mul3A_203 = arith.muli %scan3A_201, %mul3A_202 : i32
      %swap3A_204 = arith.index_cast %mul3A_203 : i32 to index
      %swap3A_205 = tpu.vector_load %arg9[%swap3A_204] {strides = array<i32>} : memref<25600xi32, #tpu.memory_space<vmem>>, vector<16xi32>,
      tpu.vector_store %arg9[%swap3A_204], %broadcast_in_dim3A_16 {strides = array<i32>} : memref<25600xi32, #tpu.memory_space<vmem>>, vector<16xi32>,
      %scan3A_206 = arith.constant 12 : i32
      %scan3A_207 = arith.addi %scan3A_136, %scan3A_206 : i32
      %mul3A_208 = arith.constant 16 : i32
      %mul3A_209 = arith.muli %scan3A_207, %mul3A_208 : i32
      %swap3A_210 = arith.index_cast %mul3A_209 : i32 to index
      %swap3A_211 = tpu.vector_load %arg9[%swap3A_210] {strides = array<i32>} : memref<25600xi32, #tpu.memory_space<vmem>>, vector<16xi32>,
      tpu.vector_store %arg9[%swap3A_210], %broadcast_in_dim3A_16 {strides = array<i32>} : memref<25600xi32, #tpu.memory_space<vmem>>, vector<16xi32>,
      %scan3A_212 = arith.constant 13 : i32
      %scan3A_213 = arith.addi %scan3A_136, %scan3A_212 : i32
      %mul3A_214 = arith.constant 16 : i32
      %mul3A_215 = arith.muli %scan3A_213, %mul3A_214 : i32
      %swap3A_216 = arith.index_cast %mul3A_215 : i32 to index
      %swap3A_217 = tpu.vector_load %arg9[%swap3A_216] {strides = array<i32>} : memref<25600xi32, #tpu.memory_space<vmem>>, vector<16xi32>,
      tpu.vector_store %arg9[%swap3A_216], %broadcast_in_dim3A_16 {strides = array<i32>} : memref<25600xi32, #tpu.memory_space<vmem>>, vector<16xi32>,
      %scan3A_218 = arith.constant 14 : i32
      %scan3A_219 = arith.addi %scan3A_136, %scan3A_218 : i32
      %mul3A_220 = arith.constant 16 : i32
      %mul3A_221 = arith.muli %scan3A_219, %mul3A_220 : i32
      %swap3A_222 = arith.index_cast %mul3A_221 : i32 to index
      %swap3A_223 = tpu.vector_load %arg9[%swap3A_222] {strides = array<i32>} : memref<25600xi32, #tpu.memory_space<vmem>>, vector<16xi32>,
      tpu.vector_store %arg9[%swap3A_222], %broadcast_in_dim3A_16 {strides = array<i32>} : memref<25600xi32, #tpu.memory_space<vmem>>, vector<16xi32>,
      %scan3A_224 = arith.constant 15 : i32
      %scan3A_225 = arith.addi %scan3A_136, %scan3A_224 : i32
      %mul3A_226 = arith.constant 16 : i32
      %mul3A_227 = arith.muli %scan3A_225, %mul3A_226 : i32
      %swap3A_228 = arith.index_cast %mul3A_227 : i32 to index
      %swap3A_229 = tpu.vector_load %arg9[%swap3A_228] {strides = array<i32>} : memref<25600xi32, #tpu.memory_space<vmem>>, vector<16xi32>,
      tpu.vector_store %arg9[%swap3A_228], %broadcast_in_dim3A_16 {strides = array<i32>} : memref<25600xi32, #tpu.memory_space<vmem>>, vector<16xi32>,
    }
    %scan3A_21 = arith.constant 1600 : i32
    "tpu.trace_stop"() : () -> ()
    %mul3A_22 = arith.constant 25600 : i32
    %mul3A_23 = arith.muli %shift_right_arithmetic3A_4, %mul3A_22 : i32
    %mul3A_24 = arith.constant 4096 : i32
    %mul3A_25 = arith.muli %and3A_3, %mul3A_24 : i32
    %iota3A = tpu.iota {dimensions = array<i32: 0>} : vector<16xi32>
    %add3A_26 = arith.constant 1 : i32
    %add3A_27 = vector.broadcast %add3A_26 : i32 to vector<16xi32>
    %add3A_28 = arith.addi %iota3A, %add3A_27 : vector<16xi32>
    %min3A = arith.constant 15 : i32
    %min3A_29 = vector.broadcast %min3A : i32 to vector<16xi32>
    %min3A_30 = arith.minsi %add3A_28, %min3A_29 : vector<16xi32>
    %eq3A = arith.constant 15 : i32
    %eq3A_31 = vector.broadcast %eq3A : i32 to vector<16xi32>
    %eq3A_32 = arith.cmpi eq, %iota3A, %eq3A_31 : vector<16xi32>
    "tpu.trace_start"() <{level = 10 : i32, message = "dedup_scan"}> : () -> ()
    %scan3A_33 = arith.constant 0 : i32
    %scan3A_34 = arith.constant 0 : i32
    %scan3A_35 = arith.constant 256 : i32
    %scan3A_36 = arith.addi %scan3A_34, %scan3A_35 : i32
    %scan3A_37 = arith.constant 4 : i32
    scf.for %scan3A_136 = %scan3A_34 to %scan3A_36 step %scan3A_37  : i32 {
      %mul3A_137 = arith.constant 16 : i32
      %mul3A_138 = arith.muli %scan3A_136, %mul3A_137 : i32
      %get3A = arith.index_cast %mul3A_138 : i32 to index
      %get3A_139 = tpu.vector_load %arg7[%get3A] {strides = array<i32>} : memref<4096xi32, #tpu.memory_space<vmem>>, vector<16xi32>,
      %mul3A_140 = arith.constant 16384 : i32
      %mul3A_141 = vector.broadcast %mul3A_140 : i32 to vector<16xi32>
      %mul3A_142 = arith.muli %get3A_139, %mul3A_141 : vector<16xi32>
      %add3A_143 = vector.broadcast %mul3A_25 : i32 to vector<16xi32>
      %add3A_144 = arith.addi %mul3A_142, %add3A_143 : vector<16xi32>
      %mul3A_145 = arith.constant 16 : i32
      %mul3A_146 = arith.muli %scan3A_136, %mul3A_145 : i32
      %add3A_147 = vector.broadcast %mul3A_146 : i32 to vector<16xi32>
      %add3A_148 = arith.addi %add3A_144, %add3A_147 : vector<16xi32>
      %add3A_149 = arith.addi %add3A_148, %iota3A : vector<16xi32>
      %masked_sort3A = arith.constant dense<true> : vector<16xi1>
      %masked_sort3A_150 = arith.constant -2147483648 : i32
      %masked_sort3A_151 = vector.broadcast %masked_sort3A_150 : i32 to vector<16xi32>
      %masked_sort3A_152 = arith.xori %add3A_149, %masked_sort3A_151 : vector<16xi32>
      %masked_sort3A_153, %masked_sort3A_154, %masked_sort3A_155 = tpu.sort %masked_sort3A_152, %add3A_149 masked %masked_sort3A : (vector<16xi32>, vector<16xi32>, vector<16xi1>) -> (vector<16xi1>, vector<16xi32>, vector<16xi32>)
      %masked_sort3A_156 = arith.xori %masked_sort3A_154, %masked_sort3A_151 : vector<16xi32>
      %shift_right_arithmetic3A_157 = arith.constant 14 : i32
      %shift_right_arithmetic3A_158 = vector.broadcast %shift_right_arithmetic3A_157 : i32 to vector<16xi32>
      %shift_right_arithmetic3A_159 = arith.shrsi %masked_sort3A_156, %shift_right_arithmetic3A_158 : vector<16xi32>
      %lt3A = arith.constant 0 : i32
      %lt3A_160 = vector.broadcast %lt3A : i32 to vector<16xi32>
      %lt3A_161 = arith.cmpi slt, %min3A_30, %lt3A_160 : vector<16xi32>
      %add3A_162 = arith.constant 16 : i32
      %add3A_163 = vector.broadcast %add3A_162 : i32 to vector<16xi32>
      %add3A_164 = arith.addi %min3A_30, %add3A_163 : vector<16xi32>
      %select_n3A = arith.select %lt3A_161, %add3A_164, %min3A_30 : vector<16xi1>, vector<16xi32>
      %broadcast_in_dim3A_165 = vector.shape_cast %select_n3A : vector<16xi32> to vector<16x1xi32>
      %gather3A = vector.shape_cast %broadcast_in_dim3A_165 : vector<16x1xi32> to vector<16xi32>
      %gather3A_166 = tpu.dynamic_gather %shift_right_arithmetic3A_159[%gather3A] in [0] : vector<16xi32>, vector<16xi32> -> vector<16xi32>
      %and3A_167 = arith.constant 16383 : i32
      %and3A_168 = vector.broadcast %and3A_167 : i32 to vector<16xi32>
      %and3A_169 = arith.andi %masked_sort3A_156, %and3A_168 : vector<16xi32>
      %ne3A = arith.cmpi ne, %shift_right_arithmetic3A_159, %gather3A_166 : vector<16xi32>
      %or3A = arith.ori %ne3A, %eq3A_32 : vector<16xi1>
      %ge3A = vector.broadcast %mul3A_23 : i32 to vector<16xi32>
      %ge3A_170 = arith.cmpi sge, %shift_right_arithmetic3A_159, %ge3A : vector<16xi32>
      %add3A_171 = arith.constant 25600 : i32
      %add3A_172 = arith.addi %mul3A_23, %add3A_171 : i32
      %lt3A_173 = vector.broadcast %add3A_172 : i32 to vector<16xi32>
      %lt3A_174 = arith.cmpi slt, %shift_right_arithmetic3A_159, %lt3A_173 : vector<16xi32>
      %and3A_175 = arith.andi %ge3A_170, %lt3A_174 : vector<16xi1>
      %and3A_176 = arith.andi %or3A, %and3A_175 : vector<16xi1>
      %sub3A = vector.broadcast %mul3A_23 : i32 to vector<16xi32>
      %sub3A_177 = arith.subi %shift_right_arithmetic3A_159, %sub3A : vector<16xi32>
      %jit3A = arith.constant 0 : i32
      %broadcast_in_dim3A_178 = vector.broadcast %jit3A : i32 to vector<16xi32>
      %select_n3A_179 = arith.select %and3A_176, %sub3A_177, %broadcast_in_dim3A_178 : vector<16xi1>, vector<16xi32>
      tpu.vector_store_idx %arg9[%select_n3A_179], %and3A_169 masked %and3A_176 : memref<25600xi32, #tpu.memory_space<vmem>>[vector<16xi32>], vector<16xi32>, vector<16xi1>
      %scan3A_180 = arith.constant 1 : i32
      %scan3A_181 = arith.addi %scan3A_136, %scan3A_180 : i32
      %mul3A_182 = arith.constant 16 : i32
      %mul3A_183 = arith.muli %scan3A_181, %mul3A_182 : i32
      %get3A_184 = arith.index_cast %mul3A_183 : i32 to index
      %get3A_185 = tpu.vector_load %arg7[%get3A_184] {strides = array<i32>} : memref<4096xi32, #tpu.memory_space<vmem>>, vector<16xi32>,
      %mul3A_186 = arith.constant 16384 : i32
      %mul3A_187 = vector.broadcast %mul3A_186 : i32 to vector<16xi32>
      %mul3A_188 = arith.muli %get3A_185, %mul3A_187 : vector<16xi32>
      %add3A_189 = vector.broadcast %mul3A_25 : i32 to vector<16xi32>
      %add3A_190 = arith.addi %mul3A_188, %add3A_189 : vector<16xi32>
      %mul3A_191 = arith.constant 16 : i32
      %mul3A_192 = arith.muli %scan3A_181, %mul3A_191 : i32
      %add3A_193 = vector.broadcast %mul3A_192 : i32 to vector<16xi32>
      %add3A_194 = arith.addi %add3A_190, %add3A_193 : vector<16xi32>
      %add3A_195 = arith.addi %add3A_194, %iota3A : vector<16xi32>
      %masked_sort3A_196 = arith.constant dense<true> : vector<16xi1>
      %masked_sort3A_197 = arith.constant -2147483648 : i32
      %masked_sort3A_198 = vector.broadcast %masked_sort3A_197 : i32 to vector<16xi32>
      %masked_sort3A_199 = arith.xori %add3A_195, %masked_sort3A_198 : vector<16xi32>
      %masked_sort3A_200, %masked_sort3A_201, %masked_sort3A_202 = tpu.sort %masked_sort3A_199, %add3A_195 masked %masked_sort3A_196 : (vector<16xi32>, vector<16xi32>, vector<16xi1>) -> (vector<16xi1>, vector<16xi32>, vector<16xi32>)
      %masked_sort3A_203 = arith.xori %masked_sort3A_201, %masked_sort3A_198 : vector<16xi32>
      %shift_right_arithmetic3A_204 = arith.constant 14 : i32
      %shift_right_arithmetic3A_205 = vector.broadcast %shift_right_arithmetic3A_204 : i32 to vector<16xi32>
      %shift_right_arithmetic3A_206 = arith.shrsi %masked_sort3A_203, %shift_right_arithmetic3A_205 : vector<16xi32>
      %lt3A_207 = arith.constant 0 : i32
      %lt3A_208 = vector.broadcast %lt3A_207 : i32 to vector<16xi32>
      %lt3A_209 = arith.cmpi slt, %min3A_30, %lt3A_208 : vector<16xi32>
      %add3A_210 = arith.constant 16 : i32
      %add3A_211 = vector.broadcast %add3A_210 : i32 to vector<16xi32>
      %add3A_212 = arith.addi %min3A_30, %add3A_211 : vector<16xi32>
      %select_n3A_213 = arith.select %lt3A_209, %add3A_212, %min3A_30 : vector<16xi1>, vector<16xi32>
      %broadcast_in_dim3A_214 = vector.shape_cast %select_n3A_213 : vector<16xi32> to vector<16x1xi32>
      %gather3A_215 = vector.shape_cast %broadcast_in_dim3A_214 : vector<16x1xi32> to vector<16xi32>
      %gather3A_216 = tpu.dynamic_gather %shift_right_arithmetic3A_206[%gather3A_215] in [0] : vector<16xi32>, vector<16xi32> -> vector<16xi32>
      %and3A_217 = arith.constant 16383 : i32
      %and3A_218 = vector.broadcast %and3A_217 : i32 to vector<16xi32>
      %and3A_219 = arith.andi %masked_sort3A_203, %and3A_218 : vector<16xi32>
      %ne3A_220 = arith.cmpi ne, %shift_right_arithmetic3A_206, %gather3A_216 : vector<16xi32>
      %or3A_221 = arith.ori %ne3A_220, %eq3A_32 : vector<16xi1>
      %ge3A_222 = vector.broadcast %mul3A_23 : i32 to vector<16xi32>
      %ge3A_223 = arith.cmpi sge, %shift_right_arithmetic3A_206, %ge3A_222 : vector<16xi32>
      %add3A_224 = arith.constant 25600 : i32
      %add3A_225 = arith.addi %mul3A_23, %add3A_224 : i32
      %lt3A_226 = vector.broadcast %add3A_225 : i32 to vector<16xi32>
      %lt3A_227 = arith.cmpi slt, %shift_right_arithmetic3A_206, %lt3A_226 : vector<16xi32>
      %and3A_228 = arith.andi %ge3A_223, %lt3A_227 : vector<16xi1>
      %and3A_229 = arith.andi %or3A_221, %and3A_228 : vector<16xi1>
      %sub3A_230 = vector.broadcast %mul3A_23 : i32 to vector<16xi32>
      %sub3A_231 = arith.subi %shift_right_arithmetic3A_206, %sub3A_230 : vector<16xi32>
      %jit3A_232 = arith.constant 0 : i32
      %broadcast_in_dim3A_233 = vector.broadcast %jit3A_232 : i32 to vector<16xi32>
      %select_n3A_234 = arith.select %and3A_229, %sub3A_231, %broadcast_in_dim3A_233 : vector<16xi1>, vector<16xi32>
      tpu.vector_store_idx %arg9[%select_n3A_234], %and3A_219 masked %and3A_229 : memref<25600xi32, #tpu.memory_space<vmem>>[vector<16xi32>], vector<16xi32>, vector<16xi1>
      %scan3A_235 = arith.constant 2 : i32
      %scan3A_236 = arith.addi %scan3A_136, %scan3A_235 : i32
      %mul3A_237 = arith.constant 16 : i32
      %mul3A_238 = arith.muli %scan3A_236, %mul3A_237 : i32
      %get3A_239 = arith.index_cast %mul3A_238 : i32 to index
      %get3A_240 = tpu.vector_load %arg7[%get3A_239] {strides = array<i32>} : memref<4096xi32, #tpu.memory_space<vmem>>, vector<16xi32>,
      %mul3A_241 = arith.constant 16384 : i32
      %mul3A_242 = vector.broadcast %mul3A_241 : i32 to vector<16xi32>
      %mul3A_243 = arith.muli %get3A_240, %mul3A_242 : vector<16xi32>
      %add3A_244 = vector.broadcast %mul3A_25 : i32 to vector<16xi32>
      %add3A_245 = arith.addi %mul3A_243, %add3A_244 : vector<16xi32>
      %mul3A_246 = arith.constant 16 : i32
      %mul3A_247 = arith.muli %scan3A_236, %mul3A_246 : i32
      %add3A_248 = vector.broadcast %mul3A_247 : i32 to vector<16xi32>
      %add3A_249 = arith.addi %add3A_245, %add3A_248 : vector<16xi32>
      %add3A_250 = arith.addi %add3A_249, %iota3A : vector<16xi32>
      %masked_sort3A_251 = arith.constant dense<true> : vector<16xi1>
      %masked_sort3A_252 = arith.constant -2147483648 : i32
      %masked_sort3A_253 = vector.broadcast %masked_sort3A_252 : i32 to vector<16xi32>
      %masked_sort3A_254 = arith.xori %add3A_250, %masked_sort3A_253 : vector<16xi32>
      %masked_sort3A_255, %masked_sort3A_256, %masked_sort3A_257 = tpu.sort %masked_sort3A_254, %add3A_250 masked %masked_sort3A_251 : (vector<16xi32>, vector<16xi32>, vector<16xi1>) -> (vector<16xi1>, vector<16xi32>, vector<16xi32>)
      %masked_sort3A_258 = arith.xori %masked_sort3A_256, %masked_sort3A_253 : vector<16xi32>
      %shift_right_arithmetic3A_259 = arith.constant 14 : i32
      %shift_right_arithmetic3A_260 = vector.broadcast %shift_right_arithmetic3A_259 : i32 to vector<16xi32>
      %shift_right_arithmetic3A_261 = arith.shrsi %masked_sort3A_258, %shift_right_arithmetic3A_260 : vector<16xi32>
      %lt3A_262 = arith.constant 0 : i32
      %lt3A_263 = vector.broadcast %lt3A_262 : i32 to vector<16xi32>
      %lt3A_264 = arith.cmpi slt, %min3A_30, %lt3A_263 : vector<16xi32>
      %add3A_265 = arith.constant 16 : i32
      %add3A_266 = vector.broadcast %add3A_265 : i32 to vector<16xi32>
      %add3A_267 = arith.addi %min3A_30, %add3A_266 : vector<16xi32>
      %select_n3A_268 = arith.select %lt3A_264, %add3A_267, %min3A_30 : vector<16xi1>, vector<16xi32>
      %broadcast_in_dim3A_269 = vector.shape_cast %select_n3A_268 : vector<16xi32> to vector<16x1xi32>
      %gather3A_270 = vector.shape_cast %broadcast_in_dim3A_269 : vector<16x1xi32> to vector<16xi32>
      %gather3A_271 = tpu.dynamic_gather %shift_right_arithmetic3A_261[%gather3A_270] in [0] : vector<16xi32>, vector<16xi32> -> vector<16xi32>
      %and3A_272 = arith.constant 16383 : i32
      %and3A_273 = vector.broadcast %and3A_272 : i32 to vector<16xi32>
      %and3A_274 = arith.andi %masked_sort3A_258, %and3A_273 : vector<16xi32>
      %ne3A_275 = arith.cmpi ne, %shift_right_arithmetic3A_261, %gather3A_271 : vector<16xi32>
      %or3A_276 = arith.ori %ne3A_275, %eq3A_32 : vector<16xi1>
      %ge3A_277 = vector.broadcast %mul3A_23 : i32 to vector<16xi32>
      %ge3A_278 = arith.cmpi sge, %shift_right_arithmetic3A_261, %ge3A_277 : vector<16xi32>
      %add3A_279 = arith.constant 25600 : i32
      %add3A_280 = arith.addi %mul3A_23, %add3A_279 : i32
      %lt3A_281 = vector.broadcast %add3A_280 : i32 to vector<16xi32>
      %lt3A_282 = arith.cmpi slt, %shift_right_arithmetic3A_261, %lt3A_281 : vector<16xi32>
      %and3A_283 = arith.andi %ge3A_278, %lt3A_282 : vector<16xi1>
      %and3A_284 = arith.andi %or3A_276, %and3A_283 : vector<16xi1>
      %sub3A_285 = vector.broadcast %mul3A_23 : i32 to vector<16xi32>
      %sub3A_286 = arith.subi %shift_right_arithmetic3A_261, %sub3A_285 : vector<16xi32>
      %jit3A_287 = arith.constant 0 : i32
      %broadcast_in_dim3A_288 = vector.broadcast %jit3A_287 : i32 to vector<16xi32>
      %select_n3A_289 = arith.select %and3A_284, %sub3A_286, %broadcast_in_dim3A_288 : vector<16xi1>, vector<16xi32>
      tpu.vector_store_idx %arg9[%select_n3A_289], %and3A_274 masked %and3A_284 : memref<25600xi32, #tpu.memory_space<vmem>>[vector<16xi32>], vector<16xi32>, vector<16xi1>
      %scan3A_290 = arith.constant 3 : i32
      %scan3A_291 = arith.addi %scan3A_136, %scan3A_290 : i32
      %mul3A_292 = arith.constant 16 : i32
      %mul3A_293 = arith.muli %scan3A_291, %mul3A_292 : i32
      %get3A_294 = arith.index_cast %mul3A_293 : i32 to index
      %get3A_295 = tpu.vector_load %arg7[%get3A_294] {strides = array<i32>} : memref<4096xi32, #tpu.memory_space<vmem>>, vector<16xi32>,
      %mul3A_296 = arith.constant 16384 : i32
      %mul3A_297 = vector.broadcast %mul3A_296 : i32 to vector<16xi32>
      %mul3A_298 = arith.muli %get3A_295, %mul3A_297 : vector<16xi32>
      %add3A_299 = vector.broadcast %mul3A_25 : i32 to vector<16xi32>
      %add3A_300 = arith.addi %mul3A_298, %add3A_299 : vector<16xi32>
      %mul3A_301 = arith.constant 16 : i32
      %mul3A_302 = arith.muli %scan3A_291, %mul3A_301 : i32
      %add3A_303 = vector.broadcast %mul3A_302 : i32 to vector<16xi32>
      %add3A_304 = arith.addi %add3A_300, %add3A_303 : vector<16xi32>
      %add3A_305 = arith.addi %add3A_304, %iota3A : vector<16xi32>
      %masked_sort3A_306 = arith.constant dense<true> : vector<16xi1>
      %masked_sort3A_307 = arith.constant -2147483648 : i32
      %masked_sort3A_308 = vector.broadcast %masked_sort3A_307 : i32 to vector<16xi32>
      %masked_sort3A_309 = arith.xori %add3A_305, %masked_sort3A_308 : vector<16xi32>
      %masked_sort3A_310, %masked_sort3A_311, %masked_sort3A_312 = tpu.sort %masked_sort3A_309, %add3A_305 masked %masked_sort3A_306 : (vector<16xi32>, vector<16xi32>, vector<16xi1>) -> (vector<16xi1>, vector<16xi32>, vector<16xi32>)
      %masked_sort3A_313 = arith.xori %masked_sort3A_311, %masked_sort3A_308 : vector<16xi32>
      %shift_right_arithmetic3A_314 = arith.constant 14 : i32
      %shift_right_arithmetic3A_315 = vector.broadcast %shift_right_arithmetic3A_314 : i32 to vector<16xi32>
      %shift_right_arithmetic3A_316 = arith.shrsi %masked_sort3A_313, %shift_right_arithmetic3A_315 : vector<16xi32>
      %lt3A_317 = arith.constant 0 : i32
      %lt3A_318 = vector.broadcast %lt3A_317 : i32 to vector<16xi32>
      %lt3A_319 = arith.cmpi slt, %min3A_30, %lt3A_318 : vector<16xi32>
      %add3A_320 = arith.constant 16 : i32
      %add3A_321 = vector.broadcast %add3A_320 : i32 to vector<16xi32>
      %add3A_322 = arith.addi %min3A_30, %add3A_321 : vector<16xi32>
      %select_n3A_323 = arith.select %lt3A_319, %add3A_322, %min3A_30 : vector<16xi1>, vector<16xi32>
      %broadcast_in_dim3A_324 = vector.shape_cast %select_n3A_323 : vector<16xi32> to vector<16x1xi32>
      %gather3A_325 = vector.shape_cast %broadcast_in_dim3A_324 : vector<16x1xi32> to vector<16xi32>
      %gather3A_326 = tpu.dynamic_gather %shift_right_arithmetic3A_316[%gather3A_325] in [0] : vector<16xi32>, vector<16xi32> -> vector<16xi32>
      %and3A_327 = arith.constant 16383 : i32
      %and3A_328 = vector.broadcast %and3A_327 : i32 to vector<16xi32>
      %and3A_329 = arith.andi %masked_sort3A_313, %and3A_328 : vector<16xi32>
      %ne3A_330 = arith.cmpi ne, %shift_right_arithmetic3A_316, %gather3A_326 : vector<16xi32>
      %or3A_331 = arith.ori %ne3A_330, %eq3A_32 : vector<16xi1>
      %ge3A_332 = vector.broadcast %mul3A_23 : i32 to vector<16xi32>
      %ge3A_333 = arith.cmpi sge, %shift_right_arithmetic3A_316, %ge3A_332 : vector<16xi32>
      %add3A_334 = arith.constant 25600 : i32
      %add3A_335 = arith.addi %mul3A_23, %add3A_334 : i32
      %lt3A_336 = vector.broadcast %add3A_335 : i32 to vector<16xi32>
      %lt3A_337 = arith.cmpi slt, %shift_right_arithmetic3A_316, %lt3A_336 : vector<16xi32>
      %and3A_338 = arith.andi %ge3A_333, %lt3A_337 : vector<16xi1>
      %and3A_339 = arith.andi %or3A_331, %and3A_338 : vector<16xi1>
      %sub3A_340 = vector.broadcast %mul3A_23 : i32 to vector<16xi32>
      %sub3A_341 = arith.subi %shift_right_arithmetic3A_316, %sub3A_340 : vector<16xi32>
      %jit3A_342 = arith.constant 0 : i32
      %broadcast_in_dim3A_343 = vector.broadcast %jit3A_342 : i32 to vector<16xi32>
      %select_n3A_344 = arith.select %and3A_339, %sub3A_341, %broadcast_in_dim3A_343 : vector<16xi1>, vector<16xi32>
      tpu.vector_store_idx %arg9[%select_n3A_344], %and3A_329 masked %and3A_339 : memref<25600xi32, #tpu.memory_space<vmem>>[vector<16xi32>], vector<16xi32>, vector<16xi1>
    }
    %scan3A_38 = arith.constant 256 : i32
    %eq3A_39 = arith.constant 0 : i32
    "tpu.trace_stop"() : () -> ()
    %eq3A_40 = arith.cmpi eq, %and3A_3, %eq3A_39 : i32
    %convert_element_type3A = arith.extui %eq3A_40 : i1 to i32
    %cond3A = arith.constant 0 : i32
    %cond3A_41 = arith.cmpi ne, %convert_element_type3A, %cond3A : i32
    scf.if %cond3A_41 {
      "tpu.region"() ({
        %run_scoped3A = tpu.sem_alloc : memref<!tpu.dma_semaphore, #tpu.memory_space<semaphore_mem>>
        %dma_start3A_136 = tpu.memref_slice %arg16[%mul3A_23] : memref<102400xi32, #tpu.memory_space<vmem_shared>> -> memref<25600xi32, #tpu.memory_space<vmem_shared>>
        %dma_start3A_137 = tpu.memref_slice %arg16[%mul3A_23] : memref<102400xi32, #tpu.memory_space<vmem_shared>> -> memref<25600xi32, #tpu.memory_space<vmem_shared>>
        tpu.enqueue_dma source(%arg9 : memref<25600xi32, #tpu.memory_space<vmem>>) target(%dma_start3A_137 : memref<25600xi32, #tpu.memory_space<vmem_shared>>) target_semaphore(%run_scoped3A : memref<!tpu.dma_semaphore, #tpu.memory_space<semaphore_mem>>)
        %dma_wait3A_138 = tpu.memref_slice %arg16[%mul3A_23] : memref<102400xi32, #tpu.memory_space<vmem_shared>> -> memref<25600xi32, #tpu.memory_space<vmem_shared>>
        %dma_wait3A_139 = tpu.memref_slice %arg16[%mul3A_23] : memref<102400xi32, #tpu.memory_space<vmem_shared>> -> memref<25600xi32, #tpu.memory_space<vmem_shared>>
        tpu.wait_dma2 semaphore(%run_scoped3A : memref<!tpu.dma_semaphore, #tpu.memory_space<semaphore_mem>>) src(%arg9 : memref<25600xi32, #tpu.memory_space<vmem>>) dst(%dma_wait3A_139 : memref<25600xi32, #tpu.memory_space<vmem_shared>>)
        tpu.yield
      }) : () -> ()
    } else {
    }
    %eq3A_42 = arith.constant 1 : i32
    %eq3A_43 = arith.cmpi eq, %and3A_3, %eq3A_42 : i32
    %convert_element_type3A_44 = arith.extui %eq3A_43 : i1 to i32
    %cond3A_45 = arith.constant 0 : i32
    %cond3A_46 = arith.cmpi ne, %convert_element_type3A_44, %cond3A_45 : i32
    scf.if %cond3A_46 {
      "tpu.region"() ({
        %run_scoped3A = tpu.sem_alloc : memref<!tpu.dma_semaphore, #tpu.memory_space<semaphore_mem>>
        %dma_start3A_136 = tpu.memref_slice %arg17[%mul3A_23] : memref<102400xi32, #tpu.memory_space<vmem_shared>> -> memref<25600xi32, #tpu.memory_space<vmem_shared>>
        %dma_start3A_137 = tpu.memref_slice %arg17[%mul3A_23] : memref<102400xi32, #tpu.memory_space<vmem_shared>> -> memref<25600xi32, #tpu.memory_space<vmem_shared>>
        tpu.enqueue_dma source(%arg9 : memref<25600xi32, #tpu.memory_space<vmem>>) target(%dma_start3A_137 : memref<25600xi32, #tpu.memory_space<vmem_shared>>) target_semaphore(%run_scoped3A : memref<!tpu.dma_semaphore, #tpu.memory_space<semaphore_mem>>)
        %dma_wait3A_138 = tpu.memref_slice %arg17[%mul3A_23] : memref<102400xi32, #tpu.memory_space<vmem_shared>> -> memref<25600xi32, #tpu.memory_space<vmem_shared>>
        %dma_wait3A_139 = tpu.memref_slice %arg17[%mul3A_23] : memref<102400xi32, #tpu.memory_space<vmem_shared>> -> memref<25600xi32, #tpu.memory_space<vmem_shared>>
        tpu.wait_dma2 semaphore(%run_scoped3A : memref<!tpu.dma_semaphore, #tpu.memory_space<semaphore_mem>>) src(%arg9 : memref<25600xi32, #tpu.memory_space<vmem>>) dst(%dma_wait3A_139 : memref<25600xi32, #tpu.memory_space<vmem_shared>>)
        tpu.yield
      }) : () -> ()
    } else {
    }
    %eq3A_47 = arith.constant 2 : i32
    %eq3A_48 = arith.cmpi eq, %and3A_3, %eq3A_47 : i32
    %convert_element_type3A_49 = arith.extui %eq3A_48 : i1 to i32
    %cond3A_50 = arith.constant 0 : i32
    %cond3A_51 = arith.cmpi ne, %convert_element_type3A_49, %cond3A_50 : i32
    scf.if %cond3A_51 {
      "tpu.region"() ({
        %run_scoped3A = tpu.sem_alloc : memref<!tpu.dma_semaphore, #tpu.memory_space<semaphore_mem>>
        %dma_start3A_136 = tpu.memref_slice %arg18[%mul3A_23] : memref<102400xi32, #tpu.memory_space<vmem_shared>> -> memref<25600xi32, #tpu.memory_space<vmem_shared>>
        %dma_start3A_137 = tpu.memref_slice %arg18[%mul3A_23] : memref<102400xi32, #tpu.memory_space<vmem_shared>> -> memref<25600xi32, #tpu.memory_space<vmem_shared>>
        tpu.enqueue_dma source(%arg9 : memref<25600xi32, #tpu.memory_space<vmem>>) target(%dma_start3A_137 : memref<25600xi32, #tpu.memory_space<vmem_shared>>) target_semaphore(%run_scoped3A : memref<!tpu.dma_semaphore, #tpu.memory_space<semaphore_mem>>)
        %dma_wait3A_138 = tpu.memref_slice %arg18[%mul3A_23] : memref<102400xi32, #tpu.memory_space<vmem_shared>> -> memref<25600xi32, #tpu.memory_space<vmem_shared>>
        %dma_wait3A_139 = tpu.memref_slice %arg18[%mul3A_23] : memref<102400xi32, #tpu.memory_space<vmem_shared>> -> memref<25600xi32, #tpu.memory_space<vmem_shared>>
        tpu.wait_dma2 semaphore(%run_scoped3A : memref<!tpu.dma_semaphore, #tpu.memory_space<semaphore_mem>>) src(%arg9 : memref<25600xi32, #tpu.memory_space<vmem>>) dst(%dma_wait3A_139 : memref<25600xi32, #tpu.memory_space<vmem_shared>>)
        tpu.yield
      }) : () -> ()
    } else {
    }
    %eq3A_52 = arith.constant 3 : i32
    %eq3A_53 = arith.cmpi eq, %and3A_3, %eq3A_52 : i32
    %convert_element_type3A_54 = arith.extui %eq3A_53 : i1 to i32
    %cond3A_55 = arith.constant 0 : i32
    %cond3A_56 = arith.cmpi ne, %convert_element_type3A_54, %cond3A_55 : i32
    scf.if %cond3A_56 {
      "tpu.region"() ({
        %run_scoped3A = tpu.sem_alloc : memref<!tpu.dma_semaphore, #tpu.memory_space<semaphore_mem>>
        %dma_start3A_136 = tpu.memref_slice %arg19[%mul3A_23] : memref<102400xi32, #tpu.memory_space<vmem_shared>> -> memref<25600xi32, #tpu.memory_space<vmem_shared>>
        %dma_start3A_137 = tpu.memref_slice %arg19[%mul3A_23] : memref<102400xi32, #tpu.memory_space<vmem_shared>> -> memref<25600xi32, #tpu.memory_space<vmem_shared>>
        tpu.enqueue_dma source(%arg9 : memref<25600xi32, #tpu.memory_space<vmem>>) target(%dma_start3A_137 : memref<25600xi32, #tpu.memory_space<vmem_shared>>) target_semaphore(%run_scoped3A : memref<!tpu.dma_semaphore, #tpu.memory_space<semaphore_mem>>)
        %dma_wait3A_138 = tpu.memref_slice %arg19[%mul3A_23] : memref<102400xi32, #tpu.memory_space<vmem_shared>> -> memref<25600xi32, #tpu.memory_space<vmem_shared>>
        %dma_wait3A_139 = tpu.memref_slice %arg19[%mul3A_23] : memref<102400xi32, #tpu.memory_space<vmem_shared>> -> memref<25600xi32, #tpu.memory_space<vmem_shared>>
        tpu.wait_dma2 semaphore(%run_scoped3A : memref<!tpu.dma_semaphore, #tpu.memory_space<semaphore_mem>>) src(%arg9 : memref<25600xi32, #tpu.memory_space<vmem>>) dst(%dma_wait3A_139 : memref<25600xi32, #tpu.memory_space<vmem_shared>>)
        tpu.yield
      }) : () -> ()
    } else {
    }
    "tpu.trace_start"() <{level = 10 : i32, message = "h_drain"}> : () -> ()
    %dma_wait3A = arith.constant 0 : i32
    %dma_wait3A_57 = tpu.memref_slice %arg8[%dma_wait3A] : memref<512xi32, #tpu.memory_space<vmem>> -> memref<256xi32, #tpu.memory_space<vmem>>
    %dma_wait3A_58 = arith.constant 0 : i32
    %dma_wait3A_59 = arith.constant 0 : i32
    %dma_wait3A_60 = tpu.memref_slice %arg2[%dma_wait3A_58, %dma_wait3A_59] : memref<100000x128xf32, #tpu.memory_space<hbm>> -> memref<100000x128xf32, #tpu.memory_space<hbm>>
    tpu.wait_indirect_dma semaphore(%arg20 : memref<!tpu.dma_semaphore, #tpu.memory_space<semaphore_mem>>) src(%dma_wait3A_60 : memref<100000x128xf32, #tpu.memory_space<hbm>>) dst(%arg14 : memref<256x128xf32, #tpu.memory_space<vmem>>)
    %dma_start3A_61 = arith.constant 0 : i32
    %dma_start3A_62 = tpu.memref_slice %arg5[%mul3A_2, %dma_start3A_61] : memref<16384x128xf32, #tpu.memory_space<hbm>> -> memref<256x128xf32, #tpu.memory_space<hbm>>
    %dma_start3A_63 = arith.constant 0 : i32
    %dma_start3A_64 = tpu.memref_slice %arg5[%mul3A_2, %dma_start3A_63] : memref<16384x128xf32, #tpu.memory_space<hbm>> -> memref<256x128xf32, #tpu.memory_space<hbm>>
    tpu.enqueue_dma source(%arg14 : memref<256x128xf32, #tpu.memory_space<vmem>>) target(%dma_start3A_64 : memref<256x128xf32, #tpu.memory_space<hbm>>) target_semaphore(%arg22 : memref<!tpu.dma_semaphore, #tpu.memory_space<semaphore_mem>>)
    %dma_wait3A_65 = arith.constant 256 : i32
    %dma_wait3A_66 = tpu.memref_slice %arg8[%dma_wait3A_65] : memref<512xi32, #tpu.memory_space<vmem>> -> memref<256xi32, #tpu.memory_space<vmem>>
    %dma_wait3A_67 = arith.constant 0 : i32
    %dma_wait3A_68 = arith.constant 0 : i32
    %dma_wait3A_69 = tpu.memref_slice %arg2[%dma_wait3A_67, %dma_wait3A_68] : memref<100000x128xf32, #tpu.memory_space<hbm>> -> memref<100000x128xf32, #tpu.memory_space<hbm>>
    tpu.wait_indirect_dma semaphore(%arg21 : memref<!tpu.dma_semaphore, #tpu.memory_space<semaphore_mem>>) src(%dma_wait3A_69 : memref<100000x128xf32, #tpu.memory_space<hbm>>) dst(%arg15 : memref<256x128xf32, #tpu.memory_space<vmem>>)
    %add3A_70 = arith.constant 256 : i32
    %add3A_71 = arith.addi %mul3A_2, %add3A_70 : i32
    %dma_start3A_72 = arith.constant 0 : i32
    %dma_start3A_73 = tpu.memref_slice %arg5[%add3A_71, %dma_start3A_72] : memref<16384x128xf32, #tpu.memory_space<hbm>> -> memref<256x128xf32, #tpu.memory_space<hbm>>
    %dma_start3A_74 = arith.constant 0 : i32
    %dma_start3A_75 = tpu.memref_slice %arg5[%add3A_71, %dma_start3A_74] : memref<16384x128xf32, #tpu.memory_space<hbm>> -> memref<256x128xf32, #tpu.memory_space<hbm>>
    tpu.enqueue_dma source(%arg15 : memref<256x128xf32, #tpu.memory_space<vmem>>) target(%dma_start3A_75 : memref<256x128xf32, #tpu.memory_space<hbm>>) target_semaphore(%arg23 : memref<!tpu.dma_semaphore, #tpu.memory_space<semaphore_mem>>)
    "tpu.trace_stop"() : () -> ()
    "tpu.trace_start"() <{level = 10 : i32, message = "pos_merge"}> : () -> ()
    %barrier3A = arith.constant 0 : index
    tpu.barrier barrier_id(%barrier3A)
    %dma_start3A_76 = arith.constant 0 : i32
    %dma_start3A_77 = tpu.memref_slice %arg16[%dma_start3A_76] : memref<102400xi32, #tpu.memory_space<vmem_shared>> -> memref<102400xi32, #tpu.memory_space<vmem_shared>>
    tpu.enqueue_indirect_dma source(%dma_start3A_77 : memref<102400xi32, #tpu.memory_space<vmem_shared>>) target(%arg10 : memref<512xi32, #tpu.memory_space<vmem>>) offsets(%arg8 : memref<512xi32, #tpu.memory_space<vmem>>) semaphore(%arg24 : memref<!tpu.dma_semaphore, #tpu.memory_space<semaphore_mem>>)
    %dma_start3A_78 = arith.constant 0 : i32
    %dma_start3A_79 = tpu.memref_slice %arg17[%dma_start3A_78] : memref<102400xi32, #tpu.memory_space<vmem_shared>> -> memref<102400xi32, #tpu.memory_space<vmem_shared>>
    tpu.enqueue_indirect_dma source(%dma_start3A_79 : memref<102400xi32, #tpu.memory_space<vmem_shared>>) target(%arg11 : memref<512xi32, #tpu.memory_space<vmem>>) offsets(%arg8 : memref<512xi32, #tpu.memory_space<vmem>>) semaphore(%arg24 : memref<!tpu.dma_semaphore, #tpu.memory_space<semaphore_mem>>)
    %dma_start3A_80 = arith.constant 0 : i32
    %dma_start3A_81 = tpu.memref_slice %arg18[%dma_start3A_80] : memref<102400xi32, #tpu.memory_space<vmem_shared>> -> memref<102400xi32, #tpu.memory_space<vmem_shared>>
    tpu.enqueue_indirect_dma source(%dma_start3A_81 : memref<102400xi32, #tpu.memory_space<vmem_shared>>) target(%arg12 : memref<512xi32, #tpu.memory_space<vmem>>) offsets(%arg8 : memref<512xi32, #tpu.memory_space<vmem>>) semaphore(%arg24 : memref<!tpu.dma_semaphore, #tpu.memory_space<semaphore_mem>>)
    %dma_start3A_82 = arith.constant 0 : i32
    %dma_start3A_83 = tpu.memref_slice %arg19[%dma_start3A_82] : memref<102400xi32, #tpu.memory_space<vmem_shared>> -> memref<102400xi32, #tpu.memory_space<vmem_shared>>
    tpu.enqueue_indirect_dma source(%dma_start3A_83 : memref<102400xi32, #tpu.memory_space<vmem_shared>>) target(%arg13 : memref<512xi32, #tpu.memory_space<vmem>>) offsets(%arg8 : memref<512xi32, #tpu.memory_space<vmem>>) semaphore(%arg24 : memref<!tpu.dma_semaphore, #tpu.memory_space<semaphore_mem>>)
    %dma_wait3A_84 = arith.constant 0 : i32
    %dma_wait3A_85 = tpu.memref_slice %arg16[%dma_wait3A_84] : memref<102400xi32, #tpu.memory_space<vmem_shared>> -> memref<102400xi32, #tpu.memory_space<vmem_shared>>
    tpu.wait_indirect_dma semaphore(%arg24 : memref<!tpu.dma_semaphore, #tpu.memory_space<semaphore_mem>>) src(%dma_wait3A_85 : memref<102400xi32, #tpu.memory_space<vmem_shared>>) dst(%arg10 : memref<512xi32, #tpu.memory_space<vmem>>)
    %dma_wait3A_86 = arith.constant 0 : i32
    %dma_wait3A_87 = tpu.memref_slice %arg17[%dma_wait3A_86] : memref<102400xi32, #tpu.memory_space<vmem_shared>> -> memref<102400xi32, #tpu.memory_space<vmem_shared>>
    tpu.wait_indirect_dma semaphore(%arg24 : memref<!tpu.dma_semaphore, #tpu.memory_space<semaphore_mem>>) src(%dma_wait3A_87 : memref<102400xi32, #tpu.memory_space<vmem_shared>>) dst(%arg11 : memref<512xi32, #tpu.memory_space<vmem>>)
    %dma_wait3A_88 = arith.constant 0 : i32
    %dma_wait3A_89 = tpu.memref_slice %arg18[%dma_wait3A_88] : memref<102400xi32, #tpu.memory_space<vmem_shared>> -> memref<102400xi32, #tpu.memory_space<vmem_shared>>
    tpu.wait_indirect_dma semaphore(%arg24 : memref<!tpu.dma_semaphore, #tpu.memory_space<semaphore_mem>>) src(%dma_wait3A_89 : memref<102400xi32, #tpu.memory_space<vmem_shared>>) dst(%arg12 : memref<512xi32, #tpu.memory_space<vmem>>)
    %dma_wait3A_90 = arith.constant 0 : i32
    %dma_wait3A_91 = tpu.memref_slice %arg19[%dma_wait3A_90] : memref<102400xi32, #tpu.memory_space<vmem_shared>> -> memref<102400xi32, #tpu.memory_space<vmem_shared>>
    tpu.wait_indirect_dma semaphore(%arg24 : memref<!tpu.dma_semaphore, #tpu.memory_space<semaphore_mem>>) src(%dma_wait3A_91 : memref<102400xi32, #tpu.memory_space<vmem_shared>>) dst(%arg13 : memref<512xi32, #tpu.memory_space<vmem>>)
    %scan3A_92 = arith.constant 0 : i32
    %scan3A_93 = arith.constant 0 : i32
    %scan3A_94 = arith.constant 32 : i32
    %scan3A_95 = arith.addi %scan3A_93, %scan3A_94 : i32
    %scan3A_96 = arith.constant 1 : i32
    scf.for %scan3A_136 = %scan3A_93 to %scan3A_95 step %scan3A_96  : i32 {
      %mul3A_137 = arith.constant 16 : i32
      %mul3A_138 = arith.muli %scan3A_136, %mul3A_137 : i32
      %get3A = arith.index_cast %mul3A_138 : i32 to index
      %get3A_139 = tpu.vector_load %arg10[%get3A] {strides = array<i32>} : memref<512xi32, #tpu.memory_space<vmem>>, vector<16xi32>,
      %get3A_140 = arith.index_cast %mul3A_138 : i32 to index
      %get3A_141 = tpu.vector_load %arg11[%get3A_140] {strides = array<i32>} : memref<512xi32, #tpu.memory_space<vmem>>, vector<16xi32>,
      %max3A = arith.maxsi %get3A_139, %get3A_141 : vector<16xi32>
      %get3A_142 = arith.index_cast %mul3A_138 : i32 to index
      %get3A_143 = tpu.vector_load %arg12[%get3A_142] {strides = array<i32>} : memref<512xi32, #tpu.memory_space<vmem>>, vector<16xi32>,
      %get3A_144 = arith.index_cast %mul3A_138 : i32 to index
      %get3A_145 = tpu.vector_load %arg13[%get3A_144] {strides = array<i32>} : memref<512xi32, #tpu.memory_space<vmem>>, vector<16xi32>,
      %max3A_146 = arith.maxsi %get3A_143, %get3A_145 : vector<16xi32>
      %max3A_147 = arith.maxsi %max3A, %max3A_146 : vector<16xi32>
      %swap3A = arith.index_cast %mul3A_138 : i32 to index
      %swap3A_148 = tpu.vector_load %arg10[%swap3A] {strides = array<i32>} : memref<512xi32, #tpu.memory_space<vmem>>, vector<16xi32>,
      tpu.vector_store %arg10[%swap3A], %max3A_147 {strides = array<i32>} : memref<512xi32, #tpu.memory_space<vmem>>, vector<16xi32>,
    }
    %scan3A_97 = arith.constant 32 : i32
    "tpu.trace_stop"() : () -> ()
    "tpu.trace_start"() <{level = 10 : i32, message = "xp_phase"}> : () -> ()
    %dma_wait3A_98 = arith.constant 0 : i32
    %dma_wait3A_99 = tpu.memref_slice %arg5[%mul3A_2, %dma_wait3A_98] : memref<16384x128xf32, #tpu.memory_space<hbm>> -> memref<256x128xf32, #tpu.memory_space<hbm>>
    %dma_wait3A_100 = arith.constant 0 : i32
    %dma_wait3A_101 = tpu.memref_slice %arg5[%mul3A_2, %dma_wait3A_100] : memref<16384x128xf32, #tpu.memory_space<hbm>> -> memref<256x128xf32, #tpu.memory_space<hbm>>
    tpu.wait_dma2 semaphore(%arg22 : memref<!tpu.dma_semaphore, #tpu.memory_space<semaphore_mem>>) src(%arg14 : memref<256x128xf32, #tpu.memory_space<vmem>>) dst(%dma_wait3A_101 : memref<256x128xf32, #tpu.memory_space<hbm>>)
    %dma_start3A_102 = arith.constant 0 : i32
    %dma_start3A_103 = tpu.memref_slice %arg10[%dma_start3A_102] : memref<512xi32, #tpu.memory_space<vmem>> -> memref<256xi32, #tpu.memory_space<vmem>>
    %dma_start3A_104 = arith.constant 0 : i32
    %dma_start3A_105 = arith.constant 0 : i32
    %dma_start3A_106 = tpu.memref_slice %arg3[%dma_start3A_104, %dma_start3A_105] : memref<16384x128xf32, #tpu.memory_space<hbm>> -> memref<16384x128xf32, #tpu.memory_space<hbm>>
    tpu.enqueue_indirect_dma source(%dma_start3A_106 : memref<16384x128xf32, #tpu.memory_space<hbm>>) target(%arg14 : memref<256x128xf32, #tpu.memory_space<vmem>>) offsets(%dma_start3A_103 : memref<256xi32, #tpu.memory_space<vmem>>) semaphore(%arg20 : memref<!tpu.dma_semaphore, #tpu.memory_space<semaphore_mem>>)
    %dma_wait3A_107 = arith.constant 0 : i32
    %dma_wait3A_108 = tpu.memref_slice %arg5[%add3A_71, %dma_wait3A_107] : memref<16384x128xf32, #tpu.memory_space<hbm>> -> memref<256x128xf32, #tpu.memory_space<hbm>>
    %dma_wait3A_109 = arith.constant 0 : i32
    %dma_wait3A_110 = tpu.memref_slice %arg5[%add3A_71, %dma_wait3A_109] : memref<16384x128xf32, #tpu.memory_space<hbm>> -> memref<256x128xf32, #tpu.memory_space<hbm>>
    tpu.wait_dma2 semaphore(%arg23 : memref<!tpu.dma_semaphore, #tpu.memory_space<semaphore_mem>>) src(%arg15 : memref<256x128xf32, #tpu.memory_space<vmem>>) dst(%dma_wait3A_110 : memref<256x128xf32, #tpu.memory_space<hbm>>)
    %dma_start3A_111 = arith.constant 256 : i32
    %dma_start3A_112 = tpu.memref_slice %arg10[%dma_start3A_111] : memref<512xi32, #tpu.memory_space<vmem>> -> memref<256xi32, #tpu.memory_space<vmem>>
    %dma_start3A_113 = arith.constant 0 : i32
    %dma_start3A_114 = arith.constant 0 : i32
    %dma_start3A_115 = tpu.memref_slice %arg3[%dma_start3A_113, %dma_start3A_114] : memref<16384x128xf32, #tpu.memory_space<hbm>> -> memref<16384x128xf32, #tpu.memory_space<hbm>>
    tpu.enqueue_indirect_dma source(%dma_start3A_115 : memref<16384x128xf32, #tpu.memory_space<hbm>>) target(%arg15 : memref<256x128xf32, #tpu.memory_space<vmem>>) offsets(%dma_start3A_112 : memref<256xi32, #tpu.memory_space<vmem>>) semaphore(%arg21 : memref<!tpu.dma_semaphore, #tpu.memory_space<semaphore_mem>>)
    %dma_wait3A_116 = arith.constant 0 : i32
    %dma_wait3A_117 = tpu.memref_slice %arg10[%dma_wait3A_116] : memref<512xi32, #tpu.memory_space<vmem>> -> memref<256xi32, #tpu.memory_space<vmem>>
    %dma_wait3A_118 = arith.constant 0 : i32
    %dma_wait3A_119 = arith.constant 0 : i32
    %dma_wait3A_120 = tpu.memref_slice %arg3[%dma_wait3A_118, %dma_wait3A_119] : memref<16384x128xf32, #tpu.memory_space<hbm>> -> memref<16384x128xf32, #tpu.memory_space<hbm>>
    tpu.wait_indirect_dma semaphore(%arg20 : memref<!tpu.dma_semaphore, #tpu.memory_space<semaphore_mem>>) src(%dma_wait3A_120 : memref<16384x128xf32, #tpu.memory_space<hbm>>) dst(%arg14 : memref<256x128xf32, #tpu.memory_space<vmem>>)
    %dma_start3A_121 = arith.constant 0 : i32
    %dma_start3A_122 = tpu.memref_slice %arg6[%mul3A_2, %dma_start3A_121] : memref<16384x128xf32, #tpu.memory_space<hbm>> -> memref<256x128xf32, #tpu.memory_space<hbm>>
    %dma_start3A_123 = arith.constant 0 : i32
    %dma_start3A_124 = tpu.memref_slice %arg6[%mul3A_2, %dma_start3A_123] : memref<16384x128xf32, #tpu.memory_space<hbm>> -> memref<256x128xf32, #tpu.memory_space<hbm>>
    tpu.enqueue_dma source(%arg14 : memref<256x128xf32, #tpu.memory_space<vmem>>) target(%dma_start3A_124 : memref<256x128xf32, #tpu.memory_space<hbm>>) target_semaphore(%arg22 : memref<!tpu.dma_semaphore, #tpu.memory_space<semaphore_mem>>)
    %dma_wait3A_125 = arith.constant 256 : i32
    %dma_wait3A_126 = tpu.memref_slice %arg10[%dma_wait3A_125] : memref<512xi32, #tpu.memory_space<vmem>> -> memref<256xi32, #tpu.memory_space<vmem>>
    %dma_wait3A_127 = arith.constant 0 : i32
    %dma_wait3A_128 = arith.constant 0 : i32
    %dma_wait3A_129 = tpu.memref_slice %arg3[%dma_wait3A_127, %dma_wait3A_128] : memref<16384x128xf32, #tpu.memory_space<hbm>> -> memref<16384x128xf32, #tpu.memory_space<hbm>>
    tpu.wait_indirect_dma semaphore(%arg21 : memref<!tpu.dma_semaphore, #tpu.memory_space<semaphore_mem>>) src(%dma_wait3A_129 : memref<16384x128xf32, #tpu.memory_space<hbm>>) dst(%arg15 : memref<256x128xf32, #tpu.memory_space<vmem>>)
    %add3A_130 = arith.constant 256 : i32
    %add3A_131 = arith.addi %mul3A_2, %add3A_130 : i32
    "tpu.region"() ({
      %run_scoped3A = tpu.sem_alloc : memref<!tpu.dma_semaphore, #tpu.memory_space<semaphore_mem>>
      %dma_start3A_136 = arith.constant 0 : i32
      %dma_start3A_137 = tpu.memref_slice %arg6[%add3A_131, %dma_start3A_136] : memref<16384x128xf32, #tpu.memory_space<hbm>> -> memref<256x128xf32, #tpu.memory_space<hbm>>
      %dma_start3A_138 = arith.constant 0 : i32
      %dma_start3A_139 = tpu.memref_slice %arg6[%add3A_131, %dma_start3A_138] : memref<16384x128xf32, #tpu.memory_space<hbm>> -> memref<256x128xf32, #tpu.memory_space<hbm>>
      tpu.enqueue_dma source(%arg15 : memref<256x128xf32, #tpu.memory_space<vmem>>) target(%dma_start3A_139 : memref<256x128xf32, #tpu.memory_space<hbm>>) target_semaphore(%run_scoped3A : memref<!tpu.dma_semaphore, #tpu.memory_space<semaphore_mem>>)
      %dma_wait3A_140 = arith.constant 0 : i32
      %dma_wait3A_141 = tpu.memref_slice %arg6[%add3A_131, %dma_wait3A_140] : memref<16384x128xf32, #tpu.memory_space<hbm>> -> memref<256x128xf32, #tpu.memory_space<hbm>>
      %dma_wait3A_142 = arith.constant 0 : i32
      %dma_wait3A_143 = tpu.memref_slice %arg6[%add3A_131, %dma_wait3A_142] : memref<16384x128xf32, #tpu.memory_space<hbm>> -> memref<256x128xf32, #tpu.memory_space<hbm>>
      tpu.wait_dma2 semaphore(%run_scoped3A : memref<!tpu.dma_semaphore, #tpu.memory_space<semaphore_mem>>) src(%arg15 : memref<256x128xf32, #tpu.memory_space<vmem>>) dst(%dma_wait3A_143 : memref<256x128xf32, #tpu.memory_space<hbm>>)
      tpu.yield
    }) : () -> ()
    %dma_wait3A_132 = arith.constant 0 : i32
    %dma_wait3A_133 = tpu.memref_slice %arg6[%mul3A_2, %dma_wait3A_132] : memref<16384x128xf32, #tpu.memory_space<hbm>> -> memref<256x128xf32, #tpu.memory_space<hbm>>
    %dma_wait3A_134 = arith.constant 0 : i32
    %dma_wait3A_135 = tpu.memref_slice %arg6[%mul3A_2, %dma_wait3A_134] : memref<16384x128xf32, #tpu.memory_space<hbm>> -> memref<256x128xf32, #tpu.memory_space<hbm>>
    tpu.wait_dma2 semaphore(%arg22 : memref<!tpu.dma_semaphore, #tpu.memory_space<semaphore_mem>>) src(%arg14 : memref<256x128xf32, #tpu.memory_space<vmem>>) dst(%dma_wait3A_135 : memref<256x128xf32, #tpu.memory_space<hbm>>)
    "tpu.trace_stop"() : () -> ()
    return
  }
}

module attributes {stable_mosaic.version = 14 : i64} {
  func.func @_gru_body(%arg0: i32, %arg1: memref<8192x128xf32, #tpu.memory_space<vmem>>, %arg2: memref<8192x128xf32, #tpu.memory_space<vmem>>, %arg3: memref<256x512xbf16, #tpu.memory_space<vmem>>, %arg4: memref<1x512xf32, #tpu.memory_space<vmem>>, %arg5: memref<8192x128xf32, #tpu.memory_space<vmem>>) attributes {dimension_semantics = [#tpu.dimension_semantics<arbitrary>], iteration_bounds = array<i64: 2>, scalar_prefetch = 0 : i64, scratch_operands = 0 : i64, tpu.core_type = #tpu.core_type<tc>, window_params = [{transform_indices = @transform_0, window_bounds = array<i64: 8192, 128>}, {transform_indices = @transform_1, window_bounds = array<i64: 8192, 128>}, {pipeline_mode = #tpu.pipeline_mode<synchronous>, transform_indices = @transform_2, window_bounds = array<i64: 256, 512>}, {pipeline_mode = #tpu.pipeline_mode<synchronous>, transform_indices = @transform_3, window_bounds = array<i64: 1, 512>}, {transform_indices = @transform_4, window_bounds = array<i64: 8192, 128>}]} {
    %get3A = arith.constant 0 : index
    %get3A_0 = arith.constant 0 : index
    %get3A_1 = vector.load %arg1[%get3A, %get3A_0] : memref<8192x128xf32, #tpu.memory_space<vmem>>, vector<8192x128xf32>
    %get3A_2 = arith.constant 0 : index
    %get3A_3 = arith.constant 0 : index
    %get3A_4 = vector.load %arg2[%get3A_2, %get3A_3] : memref<8192x128xf32, #tpu.memory_space<vmem>>, vector<8192x128xf32>
    %concatenate3A = tpu.concatenate %get3A_1, %get3A_4 in 1 : vector<8192x128xf32>, vector<8192x128xf32> -> vector<8192x256xf32>
    %convert_element_type3A = arith.truncf %concatenate3A : vector<8192x256xf32> to vector<8192x256xbf16>
    %get3A_5 = arith.constant 0 : index
    %get3A_6 = arith.constant 0 : index
    %get3A_7 = vector.load %arg3[%get3A_5, %get3A_6] : memref<256x512xbf16, #tpu.memory_space<vmem>>, vector<256x512xbf16>
    %dot_general3A = arith.constant dense<0.000000e+00> : vector<8192x512xf32>
    %dot_general3A_8 = tpu.matmul %convert_element_type3A, %get3A_7, %dot_general3A {dimension_numbers = #tpu.dot_dimension_numbers<[1], [0], [0], [1], [0, 0, 1, 1], [], []>, transpose_lhs_hint = false} : vector<8192x256xbf16>, vector<256x512xbf16>, vector<8192x512xf32> -> vector<8192x512xf32>
    %get3A_9 = arith.constant 0 : index
    %get3A_10 = arith.constant 0 : index
    %get3A_11 = vector.load %arg4[%get3A_9, %get3A_10] : memref<1x512xf32, #tpu.memory_space<vmem>>, vector<1x512xf32>
    %add3A = vector.broadcast %get3A_11 : vector<1x512xf32> to vector<8192x512xf32>
    %add3A_12 = arith.addf %dot_general3A_8, %add3A : vector<8192x512xf32>
    %slice3A = vector.extract_strided_slice %add3A_12 {offsets = [0, 0], sizes = [8192, 128], strides = [1, 1]} : vector<8192x512xf32> to vector<8192x128xf32>
    %logistic3A = arith.negf %slice3A : vector<8192x128xf32>
    %logistic3A_13 = math.exp %logistic3A : vector<8192x128xf32>
    %logistic3A_14 = arith.constant 1.000000e+00 : f32
    %logistic3A_15 = vector.broadcast %logistic3A_14 : f32 to vector<8192x128xf32>
    %logistic3A_16 = arith.addf %logistic3A_15, %logistic3A_13 : vector<8192x128xf32>
    %logistic3A_17 = arith.divf %logistic3A_15, %logistic3A_16 : vector<8192x128xf32>
    %slice3A_18 = vector.extract_strided_slice %add3A_12 {offsets = [0, 128], sizes = [8192, 128], strides = [1, 1]} : vector<8192x512xf32> to vector<8192x128xf32>
    %logistic3A_19 = arith.negf %slice3A_18 : vector<8192x128xf32>
    %logistic3A_20 = math.exp %logistic3A_19 : vector<8192x128xf32>
    %logistic3A_21 = arith.constant 1.000000e+00 : f32
    %logistic3A_22 = vector.broadcast %logistic3A_21 : f32 to vector<8192x128xf32>
    %logistic3A_23 = arith.addf %logistic3A_22, %logistic3A_20 : vector<8192x128xf32>
    %logistic3A_24 = arith.divf %logistic3A_22, %logistic3A_23 : vector<8192x128xf32>
    %slice3A_25 = vector.extract_strided_slice %add3A_12 {offsets = [0, 256], sizes = [8192, 128], strides = [1, 1]} : vector<8192x512xf32> to vector<8192x128xf32>
    %slice3A_26 = vector.extract_strided_slice %add3A_12 {offsets = [0, 384], sizes = [8192, 128], strides = [1, 1]} : vector<8192x512xf32> to vector<8192x128xf32>
    %mul3A = arith.mulf %logistic3A_17, %slice3A_26 : vector<8192x128xf32>
    %add3A_27 = arith.addf %slice3A_25, %mul3A : vector<8192x128xf32>
    %tanh3A = math.tanh %add3A_27 : vector<8192x128xf32>
    %sub3A = arith.constant 1.000000e+00 : f32
    %sub3A_28 = vector.broadcast %sub3A : f32 to vector<8192x128xf32>
    %sub3A_29 = arith.subf %sub3A_28, %logistic3A_24 : vector<8192x128xf32>
    %mul3A_30 = arith.mulf %sub3A_29, %tanh3A : vector<8192x128xf32>
    %mul3A_31 = arith.mulf %logistic3A_24, %get3A_4 : vector<8192x128xf32>
    %add3A_32 = arith.addf %mul3A_30, %mul3A_31 : vector<8192x128xf32>
    %swap3A = arith.constant 0 : index
    %swap3A_33 = arith.constant 0 : index
    %swap3A_34 = vector.load %arg5[%swap3A, %swap3A_33] : memref<8192x128xf32, #tpu.memory_space<vmem>>, vector<8192x128xf32>
    tpu.vector_store %arg5[%swap3A, %swap3A_33], %add3A_32 {strides = array<i32>} : memref<8192x128xf32, #tpu.memory_space<vmem>>, vector<8192x128xf32>,
    return
  }
  func.func @transform_0(%arg0: i32) -> (i32, i32) {
    %c0_i32 = arith.constant 0 : i32
    %c0_i32_0 = arith.constant 0 : i32
    return %arg0, %c0_i32 : i32, i32
  }
  func.func @transform_1(%arg0: i32) -> (i32, i32) {
    %c0_i32 = arith.constant 0 : i32
    %c0_i32_0 = arith.constant 0 : i32
    return %arg0, %c0_i32 : i32, i32
  }
  func.func @transform_2(%arg0: i32) -> (i32, i32) {
    %c0_i32 = arith.constant 0 : i32
    %c0_i32_0 = arith.constant 0 : i32
    %c0_i32_1 = arith.constant 0 : i32
    return %c0_i32, %c0_i32_0 : i32, i32
  }
  func.func @transform_3(%arg0: i32) -> (i32, i32) {
    %c0_i32 = arith.constant 0 : i32
    %c0_i32_0 = arith.constant 0 : i32
    %c0_i32_1 = arith.constant 0 : i32
    return %c0_i32, %c0_i32_0 : i32, i32
  }
  func.func @transform_4(%arg0: i32) -> (i32, i32) {
    %c0_i32 = arith.constant 0 : i32
    %c0_i32_0 = arith.constant 0 : i32
    return %arg0, %c0_i32 : i32, i32
  }
}

</mosaic_0001>

<sc_bundles>
// kernel: kernel.4.cloned.1.call-start
scs
__scs_entry_jumppad:
0x0: {  	(pc) =	sbr.rel $0x88, $3  }
0x1: {  	(tag) =	ssettag $0x0;
	lr =	simm.s32 $0x1  }
0x2: {  	[smem:$0x3F9A] =	sst lr;
	_ =	strace $0xD0000000  }
0x3: {  	_ = 	snop  }
0x4: {  	_ = 	snop  }
0x5: {  	_ = 	snop  }
0x6: {  	_ = 	snop  }
0x7: {  	_ = 	snop  }
__scs_overlays_trampoline_lowered:
0x8: {  	[smem:$0x3FA9] =	sst s0  }
0x9: {  	[smem:$0x3FAA] =	sst s1  }
0xa: {  	[smem:$0x3FAB] =	sst s2  }
0xb: {  	[smem:$0x3FAC] =	sst s3  }
0xc: {  	[smem:$0x3FAD] =	sst s4  }
0xd: {  	[smem:$0x3FAE] =	sst s5  }
0xe: {  	[smem:$0x3FAF] =	sst s6  }
0xf: {  	[smem:$0x3FB0] =	sst s7  }
0x10: {  	[smem:$0x3FB1] =	sst s8  }
0x11: {  	[smem:$0x3FB2] =	sst s9;
	s0 =	simm.s32 @!p0 $0x0  }
0x12: {  	s1 =	sld [smem:$0x3F98];
	s0 =	simm.s32 @p0 $0x1  }
0x13: {  	[smem:$0x3FB3] =	sst s0;
	s0 =	simm.s32 @!p1 $0x0  }
0x14: {  	s2 =	sld [smem:$0x3F97];
	s0 =	simm.s32 @p1 $0x1  }
0x15: {  	[smem:$0x3FB4] =	sst s0;
	s0 =	simm.s32 @!p2 $0x0  }
0x16: {  	s3 =	sld [smem:$0x3FDB];
	s0 =	simm.s32 @p2 $0x1  }
0x17: {  	s4 =	simm.s32 $0x1BF5;
	[smem:$0x3FB6] =	sst s0  }
0x18: {  	s0 =	sld [smem:$0x3F99];
	_ =	swait.ge [sflag:s4], $0x0  }
0x19: {  	s7 =	sld [smem:$0x3F9A]  }
0x1a: {  	s8 =	sadd.s32 $0xFFFFE003, lr  }
0x1b: {  	s9 =	sadd.s32 $0xFFFFFEF7, lr;
	s5 =	simm.s32 $0xFFFFFFFF;
	p2 =	slt.u32 s8, $0xFFFFF086  }
0x1c: {  	p1 =	slt.u32 s9, $0xF7A;
	s5 =	simm.s32 @!p2 $0x0  }
0x1d: {  	s5 =	simm.s32 @p1 $0x1;
	p0 =	seq.s32 s7, s2  }
0x1e: {  	s7 =	smul.u32 @!p0 $0xF7A, s2;
	p2 =	seq.s32 @!p0 s5, $0x0  }
0x1f: {  	s9 =	smul.u32 $0xF7A, s1;
	s8 =	simm.s32 @!p0 $0x1BF5;
	p2 =	por !p2, p0  }
0x20: {  	[sflag:s8] =	ssyncset.s32 @!p0 $0xFFFFF086;
	s6 =	sadd.s32 @!p0 s3, s7;
	s7 =	simm.s32 @!p0 $0x108  }
0x21: {  	s3 =	sadd.s32 s3, s9;
	s6 =	sadd.s32 @!p0 $0x88, s6;
	s7 =	simm.s32 @p2 $0x1082  }
0x22: {  	[simem:s7], [sflag:s8] =	dma.local @!p0 [hbm:s6], $0xF7A  }
0x23: {  	s9 =	sor.u32 $0xD0000000, s2;
	s6 =	simm.s32 $0x108;
	_ =	swait.ge @!p0 [sflag:s8], $0x0  }
0x24: {  	s3 =	sadd.s32 $0x88, s3;
	s6 =	simm.s32 @!p1 $0x1082;
	[sflag:s4] =	ssyncset.s32 $0xFFFFF086  }
0x25: {  	[simem:s6], [sflag:s4] =	dma.local [hbm:s3], $0xF7A  }
0x26: {  	[smem:$0x3F9A] =	sst s1;
	(tag) =	ssettag s2;
	_ =	strace s9  }
0x27: {  	s1 =	sld [smem:$0x3FAA]  }
0x28: {  	s2 =	sld [smem:$0x3FAB]  }
0x29: {  	s4 =	sld [smem:$0x3FAD]  }
0x2a: {  	p0 =	seq.s32 s5, $0x0;
	s5 =	sld [smem:$0x3FAE]  }
0x2b: {  	s6 =	sld [smem:$0x3FAF]  }
0x2c: {  	s7 =	sld [smem:$0x3FB0]  }
0x2d: {  	s3 =	simm.s32 $0x108;
	s8 =	sld [smem:$0x3FB1]  }
0x2e: {  	s3 =	simm.s32 @!p0 $0x1082;
	s9 =	sld [smem:$0x3FB2]  }
0x2f: {  	lr =	sadd.s32 s0, s3;
	s0 =	sld [smem:$0x3FA9]  }
0x30: {  	s3 =	sld [smem:$0x3FAC]  }
0x31: {  	[smem:$0x3FB5] =	sst s10  }
0x32: {  	s10 =	sld [smem:$0x3FB3];
	_ =	sdelay $0x3  }
0x33: {  	p0 =	seq.s32 s10, $0x1;
	s10 =	sld [smem:$0x3FB5];
	_ =	sdelay $0x3  }
0x34: {  	[smem:$0x3FB5] =	sst s10  }
0x35: {  	s10 =	sld [smem:$0x3FB4];
	_ =	sdelay $0x3  }
0x36: {  	p1 =	seq.s32 s10, $0x1;
	s10 =	sld [smem:$0x3FB5];
	_ =	sdelay $0x3  }
0x37: {  	[smem:$0x3FB5] =	sst s10  }
0x38: {  	s10 =	sld [smem:$0x3FB6]  }
0x39: {  	_ = 	snop;
	(pc) =	sbr.ind lr, $3  }
0x3a: {  	_ = 	snop  }
0x3b: {  	_ = 	snop  }
0x3c: {  	p2 =	seq.s32 s10, $0x1;
	s10 =	sld [smem:$0x3FB5]  }
0x3d: {  	_ =	shalt  }
0x3e: {  	_ =	shalt  }
0x3f: {  	_ =	shalt  }
0x40: {  	_ =	shalt  }
0x41: {  	_ =	shalt  }
0x42: {  	_ =	shalt  }
0x43: {  	_ =	shalt  }
0x44: {  	_ =	shalt  }
0x45: {  	_ =	shalt  }
0x46: {  	_ =	shalt  }
0x47: {  	_ =	shalt  }
0x48: {  	_ =	shalt  }
0x49: {  	_ =	shalt  }
0x4a: {  	_ =	shalt  }
0x4b: {  	_ =	shalt  }
0x4c: {  	_ =	shalt  }
0x4d: {  	_ =	shalt  }
0x4e: {  	_ =	shalt  }
0x4f: {  	_ =	shalt  }
0x50: {  	_ =	shalt  }
0x51: {  	_ =	shalt  }
0x52: {  	_ =	shalt  }
0x53: {  	_ =	shalt  }
0x54: {  	_ =	shalt  }
0x55: {  	_ =	shalt  }
0x56: {  	_ =	shalt  }
0x57: {  	_ =	shalt  }
0x58: {  	_ =	shalt  }
0x59: {  	_ =	shalt  }
0x5a: {  	_ =	shalt  }
0x5b: {  	_ =	shalt  }
0x5c: {  	_ =	shalt  }
0x5d: {  	_ =	shalt  }
0x5e: {  	_ =	shalt  }
0x5f: {  	_ =	shalt  }
0x60: {  	_ =	shalt  }
0x61: {  	_ =	shalt  }
0x62: {  	_ =	shalt  }
0x63: {  	_ =	shalt  }
0x64: {  	_ =	shalt  }
0x65: {  	_ =	shalt  }
0x66: {  	_ =	shalt  }
0x67: {  	_ =	shalt  }
0x68: {  	_ =	shalt  }
0x69: {  	_ =	shalt  }
0x6a: {  	_ =	shalt  }
0x6b: {  	_ =	shalt  }
0x6c: {  	_ =	shalt  }
0x6d: {  	_ =	shalt  }
0x6e: {  	_ =	shalt  }
0x6f: {  	_ =	shalt  }
0x70: {  	_ =	shalt  }
0x71: {  	_ =	shalt  }
0x72: {  	_ =	shalt  }
0x73: {  	_ =	shalt  }
0x74: {  	_ =	shalt  }
0x75: {  	_ =	shalt  }
0x76: {  	_ =	shalt  }
0x77: {  	_ =	shalt  }
0x78: {  	_ =	shalt  }
0x79: {  	_ =	shalt  }
0x7a: {  	_ =	shalt  }
0x7b: {  	_ =	shalt  }
0x7c: {  	_ =	shalt  }
0x7d: {  	_ =	shalt  }
0x7e: {  	_ =	shalt  }
0x7f: {  	_ =	shalt  }
0x80: {  	_ =	shalt  }
0x81: {  	_ =	shalt  }
0x82: {  	_ =	shalt  }
0x83: {  	_ =	shalt  }
0x84: {  	_ =	shalt  }
0x85: {  	_ =	shalt  }
0x86: {  	_ =	shalt  }
0x87: {  	_ =	shalt  }
.Lfunc_end0:
.L_simem_size_0:
called_computation_lowered:
.L_overlay_start_0:
0x88: {  	s2 =	sld [smem:$0x3FD9]  }
0x89: {  	s3 =	sld [smem:$0x3FFE];
	_ =	sdelay $0x1  }
0x8a: {  	s1 =	srdreg.scid  }
0x8b: {  	s0 =	sand.u32 $0x1, s1  }
0x8c: {  	s17 =	sshll.u32 s0, $0xA;
	s2 =	sadd.s32 s3, s2  }
0x8d: {  	s2 =	sadd.s32 s2, s17  }
0x8e: {  	[smem:$0x3FC1] =	sst s2  }
0x8f: {  	_ = 	snop  }
0x90: {  	s2 =	sld [smem:$0x3FC9]  }
0x91: {  	s18 =	sld [smem:$0x3FC8]  }
0x92: {  	s4 =	sld [smem:$0x3FC7]  }
0x93: {  	s5 =	sld [smem:$0x3FD0];
	(tm) =	ssettm $0x1  }
0x94: {  	s6 =	sld [smem:$0x3FFB];
	_ =	sdelay $0x3  }
0x95: {  	_ =	strace s6  }
0x96: {  	s6 =	sld [smem:$0x3FFC];
	_ =	sdelay $0x3  }
0x97: {  	_ =	strace s6  }
0x98: {  	s6 =	sld [smem:$0x3FFD];
	_ =	sdelay $0x3  }
0x99: {  	_ =	strace s6  }
0x9a: {  	_ =	strace $0x8FFFFFFF  }
0x9b: {  	s19 =	sld [smem:$0x3FDB];
	_ =	sdelay $0x1  }
0x9c: {  	s7 =	simm.s32 $_scs_section_size  }
0x9d: {  	s8 =	simm.s32 $_size__tile_overlayer_lowered;
	s9 =	simm.s32 $_tile_overlayer_lowered  }
0x9e: {  	s22 =	simm.s32 $0x1BFF;
	s21 =	sshll.u32 s9, $0x1;
	s6 =	sadd.s32 s7, s19  }
0x9f: {  	s10 =	simm.s32 $0x0;
	s20 =	sshll.u32 s8, $0x1;
	s8 =	sadd.s32 s21, s6  }
0xa0: {  	[timem:s10], [sflag:s22] =	dma.local [hbm:s8], s20  }
0xa1: {  	_ =	swait.ge [sflag:s22], s20  }
0xa2: {  	s7 =	ssub.s32 $0x0, s20;
	[sflag:s22] =	ssyncset.done $0x0  }
0xa3: {  	[sflag:s22] =	ssyncadd.s32 s7;
	_ =	sdelay $0x1  }
0xa4: {  	s23 =	simm.s32 $0x1B8B  }
0xa5: {  	_ =	swait.ge [sflag:s23], $0x1  }
0xa6: {  	[sflag:s23] =	ssyncset.done $0x0  }
0xa7: {  	s25 =	simm.s32 $0x1B8E;
	s24 =	sld [smem:$0x3FFE];
	[sflag:s23] =	ssyncadd.s32 $0xFFFFFFFF  }
0xa8: {  	s26 =	simm.s32 $execute0_lowered;
	[smem:$0x3FD2] =	sst s25  }
0xa9: {  	s8 =	sshll.u32 s26, $0x1;
	_ =	strace $0x80000046;
	[dreg:$0x1] =	wrdreg $0xFFFFFFFF  }
0xaa: {  	s28 =	simm.s32 $_size_execute0_lowered;
	s6 =	sadd.s32 s6, s8;
	[dreg:$0x0] =	wrdreg $0x0  }
0xab: {  	s8 =	sshll.u32 s28, $0x1;
	[dreg:$0x2] =	wrdreg s6  }
0xac: {  	[dreg:$0x3] =	wrdreg s8  }
0xad: {  	[dreg:$0x4] =	wrdreg $0xC0  }
0xae: {  	_ =	task [dreg:s10], $0x5FFFF  }
0xaf: {  	[dreg:$0x1] =	wrdreg $0xFFFFFFFF  }
0xb0: {  	[dreg:$0x0] =	wrdreg $0x60  }
0xb1: {  	[dreg:$0x2] =	wrdreg s2  }
0xb2: {  	[dreg:$0x3] =	wrdreg s18  }
0xb3: {  	[dreg:$0x4] =	wrdreg s4  }
0xb4: {  	[dreg:$0x5] =	wrdreg s5  }
0xb5: {  	[dreg:$0x6] =	wrdreg s24  }
0xb6: {  	[dreg:$0x7] =	wrdreg $0x17E000  }
0xb7: {  	[dreg:$0x8] =	wrdreg $0x197000  }
0xb8: {  	[dreg:$0x9] =	wrdreg $0x1B0000  }
0xb9: {  	[dreg:$0xa] =	wrdreg $0x1C9000  }
0xba: {  	[dreg:$0xb] =	wrdreg $0x9  }
0xbb: {  	_ =	task.clear_ibuf [dreg:s10], $0xCFFFF;
	_ =	strace $0x90000046  }
0xbc: {  	s29 =	simm.s32 $0x9;
	_ =	strace $0x8000004D  }
0xbd: {  	_ =	swait.ge [sflag:s29], $0x1  }
0xbe: {  	[sflag:s29] =	ssyncadd.s32 $0xFFFFFFFF  }
0xbf: {  	_ =	strace $0x9000004D  }
0xc0: {  	_ =	sfence  }
0xc1: {  	s30 =	sld [smem:$0x0];
	_ =	sdelay $0x2  }
0xc2: {  	s31 =	sshll.u32 s1, $0xD;
	s1 =	sshrl.u32 s1, $0x2  }
0xc3: {  	s3 =	sand.u32 $0x4000, s31;
	s1 =	sadd.s32 s1, s30  }
0xc4: {  	s0 =	sor.u32 s3, s0;
	s1 =	sshll.u32 s1, $0x11  }
0xc5: {  	s0 =	sor.u32 s1, s0  }
0xc6: {  	s0 =	sadd.s32 $0x8F2B, s0  }
0xc7: {  	[sflag:s0] =	ssyncadd.remote.s32 $0x1  }
0xc8: {  	_ =	sfence.sel $0xFFFF  }
0xc9: {  	[dreg:$0x0] =	wrdreg $0xFFFFFFFF;
	(pc) =	sbr.abs _section_cstart, $3  }
0xca: {  	[dreg:$0x1] =	wrdreg $0xFFFFFFFF  }
0xcb: {  	_ =	task.clear_ibuf [dreg:s10], $0x2FFFF;
	_ =	strace $0x9FFFFFFF  }
0xcc: {  	(tm) =	ssettm $0x7FFFFFFF  }
0xcd: {  	_ =	shalt  }
tec
execute0_lowered:
.L_overlay_start_1:
0x0: {  	(tag) =	ssettag $0x1  }
0x1: {  	s0 =	rddreg [dreg:$0x0]  }
0x2: {  	s1 =	rddreg [dreg:$0x1]  }
0x3: {  	s2 =	rddreg [dreg:$0x2]  }
0x4: {  	s3 =	rddreg [dreg:$0x3]  }
0x5: {  	s4 =	rddreg [dreg:$0x4]  }
0x6: {  	s12 =	rddreg [dreg:$0x5]  }
0x7: {  	s13 =	rddreg [dreg:$0x6]  }
0x8: {  	s14 =	rddreg [dreg:$0x7]  }
0x9: {  	s15 =	rddreg [dreg:$0x8];
	s7 =	simm.s32 $0x0;
	s5 =	srdreg.scid  }
0xa: {  	s9 =	stileid.u32;
	s18 =	simm.s32 $0x1000;
	s20 =	simm.s32 $0x100  }
0xb: {  	s21 =	simm.s32 $0x7E00;
	s25 =	simm.s32 $0x1;
	s26 =	simm.s32 $0x2  }
0xc: {  	s28 =	simm.s32 $0x200;
	s29 =	simm.s32 $0x7600;
	s5 =	sand.u32 $0x1, s5  }
0xd: {  	[smem:$0x7FF] =	sst s7;
	s4 =	sadd.s32 $0x1800, s4;
	s6 =	ssub.s32 $0x2, s5  }
0xe: {  	s30 =	sshll.u32 s9, $0xA;
	s5 =	sshll.u32 s5, $0x9;
	s8 =	sshrl.u32 s6, $0x1  }
0xf: {  	_ =	strace $0x80000047;
	s5 =	sor.u32 s5, s30;
	s6 =	ssub.s32 s6, s8  }
0x10: {  	s8 =	sand.u32 $0x3, s9;
	s9 =	sshrl.u32 s9, $0x2;
	s10 =	sshrl.u32 s5, $0x3  }
0x11: {  	s5 =	sshll.u32 s5, $0x4;
	s11 =	sshll.u32 s8, $0x9;
	s22 =	smul.u32 $0x6400, s9  }
0x12: {  	s9 =	sadd.s32 s2, s10;
	s10 =	sshll.u32 s8, $0xC;
	s16 =	sor.u32 $0x1000, s5  }
0x13: {  	p0 =	sgt.s32 s8, $0x1;
	s17 =	smax.u32 s6, $0x1;
	s6 =	simm.s32 $0x0  }
0x14: {  	v0 =	vimm.s32 $0xFFEDCBA9;
	v1 =	vimm.s32 $0x87654321;
	s11 =	sadd.s32 s2, s11;
	p1 =	seq.s32 @p0 s8, $0x2;
	s31 =	sadd.s32 $0x6400, s22  }
0x15: {  	v0 =	vunpack.c.l.s4.s8 v0;
	v1 =	vunpack.c.l.s4.s8 v1;
	s19 =	sadd.s32 s22, s15;
	s23 =	sadd.s32 s22, s14;
	s24 =	sadd.s32 s22, s13  }
0x16: {  	s12 =	sadd.s32 s22, s12;
	s13 =	sadd.s32 s3, s5;
	s14 =	sadd.s32 s3, s16  }
0x17: {  	v0 =	vunpack.c.0.s8.s32 v0;
	v1 =	vunpack.c.0.s8.s32 v1;
	s15 =	sadd.s32 s4, s5;
	s16 =	sadd.s32 s4, s16;
	p1 =	por !p1, !p0  }
0x18: {  	s3 =	simm.s32 $0x3;
	s23 =	smov.u32 @p1 s19;
	p1 =	seq.s32 @!p0 s8, $0x0  }
0x19: {  	v4 =	vcombine.low v1, v0;
	s4 =	simm.s32 $0x4;
	s5 =	simm.s32 $0x7700;
	p1 =	por !p1, p0  }
0x1a: {  	v2 =	vimm.s32 $0xFFFFFFFF;
	v3 =	vlaneseq.u32;
	vm0 =	vcmask $0x3F3C;
	s19 =	simm.s32 $0x6;
	s8 =	simm.s32 $0x5;
	s12 =	smov.u32 @p1 s24  }
0x1b: {  	v0 =	vmov s22;
	v4 =	vand.u32 $0xF, v4;
	v1 =	vmov s31;
	s24 =	simm.s32 $0x1200;
	s12 =	smov.u32 @p0 s23;
	s23 =	simm.s32 $0xFE00  }
.LBB2_1:
0x1c: {  	[tilespmem:s18], [sflag:$0x6] =	stream.linear.gather [hbm4b:s9+s7], $0x200, $0x38;
	[tilespmem:$0x1E200] =	vst v63  }
0x1d: {  	_ =	swait.ge [sflag:s19], $0x200  }
0x1e: {  	[sflag:s19] =	ssyncset.done $0x0  }
0x1f: {  	[sflag:s19] =	ssyncadd.s32 $0xFFFFFE00  }
0x20: {  	[tilespmem:s21], [sflag:$0x1] =	stream.indirect.gather [hbm4b:s0+s20], $0x80, s18, s20, $0xb8;
	[tilespmem:$0x1E200] =	vst v63  }
0x21: {  	s2 =	simm.s32 $0x1100  }
0x22: {  	[tilespmem:s23], [sflag:$0x2] =	stream.indirect.gather [hbm4b:s0+s20], $0x80, s2, s20, $0xb8;
	[tilespmem:$0x1E200] =	vst v63  }
0x23: {  	_ = 	snop  }
0x24: {  	[tilespmem:s7], [sflag:$0x6] =	stream.linear.gather [hbm4b:s11+s7], $0x1000, $0x38;
	[tilespmem:$0x1E200] =	vst v63  }
0x25: {  	_ =	swait.ge [sflag:s19], $0x1000  }
0x26: {  	[sflag:s19] =	ssyncset.done $0x0  }
0x27: {  	s22 =	simm.s32 $0x1280;
	[sflag:s19] =	ssyncadd.s32 $0xFFFFF000  }
0x28: {  	_ =	strace $0x80000048;
	[tilespmem:s22+$0xFFFFFF80] =	vst v2  }
0x29: {  	[tilespmem:s22+$0x70] =	vst v2  }
0x2a: {  	[tilespmem:s22+$0x60] =	vst v2  }
0x2b: {  	[tilespmem:s22+$0x50] =	vst v2  }
0x2c: {  	[tilespmem:s22+$0x40] =	vst v2  }
0x2d: {  	[tilespmem:s22+$0x30] =	vst v2  }
0x2e: {  	[tilespmem:s22+$0x20] =	vst v2  }
0x2f: {  	[tilespmem:s22+$0x10] =	vst v2  }
0x30: {  	[tilespmem:s22+$0x0] =	vst v2  }
0x31: {  	[tilespmem:s22+$0xFFFFFFF0] =	vst v2  }
0x32: {  	[tilespmem:s22+$0xFFFFFFE0] =	vst v2  }
0x33: {  	[tilespmem:s22+$0xFFFFFFD0] =	vst v2  }
0x34: {  	[tilespmem:s22+$0xFFFFFFC0] =	vst v2  }
0x35: {  	[tilespmem:s22+$0xFFFFFFB0] =	vst v2  }
0x36: {  	s30 =	simm.s32 $0x0;
	[tilespmem:s22+$0xFFFFFFA0] =	vst v2  }
.LBB2_2:
0x37: {  	s30 =	sadd.s32 $0x10, s30;
	[tilespmem:s22+$0xFFFFFF90] =	vst v2;
	s22 =	sadd.s32 $0x100, s22  }
0x38: {  	[tilespmem:s22+$0xFFFFFF80] =	vst v2;
	p0 =	slt.u32 s30, $0x630  }
0x39: {  	[tilespmem:s22+$0x70] =	vst v2  }
0x3a: {  	[tilespmem:s22+$0x60] =	vst v2  }
0x3b: {  	[tilespmem:s22+$0x50] =	vst v2  }
0x3c: {  	[tilespmem:s22+$0x40] =	vst v2  }
0x3d: {  	[tilespmem:s22+$0x30] =	vst v2  }
0x3e: {  	[tilespmem:s22+$0x20] =	vst v2  }
0x3f: {  	[tilespmem:s22+$0x10] =	vst v2  }
0x40: {  	[tilespmem:s22+$0x0] =	vst v2  }
0x41: {  	[tilespmem:s22+$0xFFFFFFF0] =	vst v2  }
.Ltmp0:
0x42: {  	[tilespmem:s22+$0xFFFFFFE0] =	vst v2;
	(pc) =	sbr.rel @p0 .LBB2_2-.Ltmp0, $4  }
0x43: {  	[tilespmem:s22+$0xFFFFFFD0] =	vst v2  }
0x44: {  	[tilespmem:s22+$0xFFFFFFC0] =	vst v2  }
0x45: {  	[tilespmem:s22+$0xFFFFFFB0] =	vst v2  }
0x46: {  	[tilespmem:s22+$0xFFFFFFA0] =	vst v2  }
0x47: {  	[tilespmem:s22+$0xFFFFFF90] =	vst v2  }
0x48: {  	s22 =	simm.s32 $0xFFFFFFFC;
	_ =	strace $0x90000048  }
0x49: {  	s30 =	simm.s32 $0x0;
	s31 =	simm.s32 $0x20;
	_ =	strace $0x80000049  }
.LBB2_4:
0x4a: {  	v5 =	vld [tilespmem:s31+$0xFFFFFFE0];
	_ =	sdelay $0x4  }
0x4b: {  	s2 =	sor.u32 s10, s30;
	v5 =	vshll.u32 v5, $0xE  }
0x4c: {  	v5 =	vadd.s32 s2, v5  }
0x4d: {  	v5 =	vor.u32 v3, v5  }
0x4e: {  	v6 =	vxor.u32 $0x80000000, v5  }
0x4f: {  	(xrf1) =	vsort.ascd.msk.u32 $0xffff, v6, v5;
	_ =	sdelay $0xd  }
0x50: {  	v5, _, _ =	vpop (xrf1)  }
0x51: {  	v6 =	vshra.s32 v5, $0xE  }
0x52: {  	v6 =	vxor.u32 $0xFFFE0000, v6  }
0x53: {  	v7 =	vperm.xlane v6, v4;
	_ =	sdelay $0x1  }
0x54: {  	vm2 =	vge.s32 v6, v0;
	vm3 =	vlt.s32 v6, v1;
	vm1 =	vne.s32 v6, v7  }
0x55: {  	vm2 =	vmand vm2, vm3;
	vm1 =	vmor vm1, vm0  }
0x56: {  	v6 =	vsub.s32 v6, v0;
	vm1 =	vmand vm1, vm2  }
0x57: {  	v6 =	vnsel vm1, $0x0, v6;
	_ =	sdelay $0x3  }
0x58: {  	v5 =	vand.u32 $0x3FFF, v5  }
0x59: {  	[tilespmem:v6+s24+$0x0] =	vst.idx.msk vm1, v5  }
0x5a: {  	v5 =	vld [tilespmem:s31+$0xFFFFFFF0];
	_ =	sdelay $0x3  }
0x5b: {  	s2 =	sadd.s32 $0x10, s30  }
0x5c: {  	s2 =	sor.u32 s10, s2;
	v5 =	vshll.u32 v5, $0xE  }
0x5d: {  	v5 =	vor.u32 s2, v5  }
0x5e: {  	v5 =	vor.u32 v3, v5  }
0x5f: {  	v6 =	vxor.u32 $0x80000000, v5  }
0x60: {  	(xrf1) =	vsort.ascd.msk.u32 $0xffff, v6, v5;
	_ =	sdelay $0xd  }
0x61: {  	v5, _, _ =	vpop (xrf1)  }
0x62: {  	v6 =	vshra.s32 v5, $0xE  }
0x63: {  	v6 =	vxor.u32 $0xFFFE0000, v6  }
0x64: {  	v7 =	vperm.xlane v6, v4;
	_ =	sdelay $0x1  }
0x65: {  	vm2 =	vge.s32 v6, v0;
	vm3 =	vlt.s32 v6, v1;
	vm1 =	vne.s32 v6, v7  }
0x66: {  	vm2 =	vmand vm2, vm3;
	vm1 =	vmor vm1, vm0  }
0x67: {  	v6 =	vsub.s32 v6, v0;
	vm1 =	vmand vm1, vm2  }
0x68: {  	v6 =	vnsel vm1, $0x0, v6;
	_ =	sdelay $0x3  }
0x69: {  	v5 =	vand.u32 $0x3FFF, v5  }
0x6a: {  	[tilespmem:v6+s24+$0x0] =	vst.idx.msk vm1, v5  }
0x6b: {  	v5 =	vld [tilespmem:s31+$0x0];
	_ =	sdelay $0x3  }
0x6c: {  	s2 =	sadd.s32 $0x20, s30  }
0x6d: {  	s2 =	sor.u32 s10, s2;
	v5 =	vshll.u32 v5, $0xE  }
0x6e: {  	v5 =	vor.u32 s2, v5  }
0x6f: {  	v5 =	vor.u32 v3, v5  }
0x70: {  	v6 =	vxor.u32 $0x80000000, v5  }
0x71: {  	(xrf1) =	vsort.ascd.msk.u32 $0xffff, v6, v5;
	_ =	sdelay $0xd  }
0x72: {  	v5, _, _ =	vpop (xrf1)  }
0x73: {  	v6 =	vshra.s32 v5, $0xE  }
0x74: {  	v6 =	vxor.u32 $0xFFFE0000, v6  }
0x75: {  	v7 =	vperm.xlane v6, v4;
	_ =	sdelay $0x1  }
0x76: {  	vm2 =	vge.s32 v6, v0;
	vm3 =	vlt.s32 v6, v1;
	vm1 =	vne.s32 v6, v7  }
0x77: {  	vm2 =	vmand vm2, vm3;
	vm1 =	vmor vm1, vm0  }
0x78: {  	v6 =	vsub.s32 v6, v0;
	vm1 =	vmand vm1, vm2  }
0x79: {  	v6 =	vnsel vm1, $0x0, v6;
	_ =	sdelay $0x3  }
0x7a: {  	v5 =	vand.u32 $0x3FFF, v5  }
0x7b: {  	[tilespmem:v6+s24+$0x0] =	vst.idx.msk vm1, v5  }
0x7c: {  	v5 =	vld [tilespmem:s31+$0x10];
	_ =	sdelay $0x3  }
0x7d: {  	s2 =	sadd.s32 $0x30, s30  }
0x7e: {  	s2 =	sor.u32 s10, s2;
	v5 =	vshll.u32 v5, $0xE  }
0x7f: {  	v5 =	vor.u32 s2, v5  }
0x80: {  	v5 =	vor.u32 v3, v5  }
0x81: {  	v6 =	vxor.u32 $0x80000000, v5  }
0x82: {  	(xrf1) =	vsort.ascd.msk.u32 $0xffff, v6, v5;
	_ =	sdelay $0xd  }
0x83: {  	v5, _, _ =	vpop (xrf1)  }
0x84: {  	v6 =	vshra.s32 v5, $0xE  }
0x85: {  	v6 =	vxor.u32 $0xFFFE0000, v6  }
0x86: {  	v7 =	vperm.xlane v6, v4;
	_ =	sdelay $0x1  }
0x87: {  	vm2 =	vge.s32 v6, v0;
	vm3 =	vlt.s32 v6, v1;
	vm1 =	vne.s32 v6, v7  }
0x88: {  	vm2 =	vmand vm2, vm3;
	vm1 =	vmor vm1, vm0  }
0x89: {  	s22 =	sadd.s32 $0x4, s22;
	v6 =	vsub.s32 v6, v0;
	vm1 =	vmand vm1, vm2  }
0x8a: {  	p0 =	slt.u32 s22, $0xFC;
	v6 =	vnsel vm1, $0x0, v6  }
.Ltmp1:
0x8b: {  	_ = 	snop;
	(pc) =	sbr.rel @p0 .LBB2_4-.Ltmp1, $3  }
0x8c: {  	_ =	sdelay $0x1  }
0x8d: {  	v5 =	vand.u32 $0x3FFF, v5  }
0x8e: {  	s30 =	sadd.s32 $0x40, s30;
	s31 =	sadd.s32 $0x40, s31;
	[tilespmem:v6+s24+$0x0] =	vst.idx.msk vm1, v5  }
0x8f: {  	_ =	strace $0x90000049  }
0x90: {  	[spmem:s12] =	stream.linear.scatter [tilespmem:s24], [sflag:$0x6], $0x6400, $0x38;
	[tilespmem:$0x1E200] =	vst v63  }
0x91: {  	_ =	swait.ge [sflag:s19], $0x6400  }
0x92: {  	[sflag:s19] =	ssyncset.done $0x0  }
0x93: {  	[sflag:s19] =	ssyncadd.s32 $0xFFFF9C00  }
0x94: {  	_ =	strace $0x8000004A  }
0x95: {  	_ =	swait.ge [sflag:s25], $0x8000  }
0x96: {  	[sflag:s25] =	ssyncset.done $0x0  }
0x97: {  	s2 =	simm.s32 $0x0;
	[sflag:s25] =	ssyncadd.s32 $0xFFFF8000  }
0x98: {  	[hbm4b:s13+s2] =	stream.linear.scatter [tilespmem:s21], [sflag:$0x3], $0x8000, $0x200038;
	[tilespmem:$0x1E200] =	vst v63  }
0x99: {  	_ =	swait.ge [sflag:s26], $0x8000  }
0x9a: {  	[sflag:s26] =	ssyncset.done $0x0  }
0x9b: {  	[sflag:s26] =	ssyncadd.s32 $0xFFFF8000  }
0x9c: {  	[hbm4b:s14+s2] =	stream.linear.scatter [tilespmem:s23], [sflag:$0x4], $0x8000, $0x200038;
	[tilespmem:$0x1E200] =	vst v63  }
0x9d: {  	_ =	strace $0x9000004A  }
0x9e: {  	_ =	strace $0x8000004B  }
0x9f: {  	[bflag:$0x0] =	sbarrier.arrive $0xFFFF  }
0xa0: {  	s22 =	rddreg [dreg:$0x5]  }
0xa1: {  	[tilespmem:s29], [sflag:$0x5] =	stream.indirect.gather [spmem:s22], $0x1, s18, s28, $0x2000b8;
	[tilespmem:$0x1E200] =	vst v63  }
0xa2: {  	s31 =	rddreg [dreg:$0x6];
	s22 =	simm.s32 $0x7800  }
0xa3: {  	[tilespmem:s22], [sflag:$0x5] =	stream.indirect.gather [spmem:s31], $0x1, s18, s28, $0x2000b8;
	[tilespmem:$0x1E200] =	vst v63  }
0xa4: {  	s22 =	rddreg [dreg:$0x7];
	s31 =	simm.s32 $0x7A00  }
0xa5: {  	[tilespmem:s31], [sflag:$0x5] =	stream.indirect.gather [spmem:s22], $0x1, s18, s28, $0x2000b8;
	[tilespmem:$0x1E200] =	vst v63  }
0xa6: {  	s22 =	rddreg [dreg:$0x8];
	s31 =	simm.s32 $0x7C00  }
0xa7: {  	[tilespmem:s31], [sflag:$0x5] =	stream.indirect.gather [spmem:s22], $0x1, s18, s28, $0x2000b8;
	[tilespmem:$0x1E200] =	vst v63  }
0xa8: {  	_ =	swait.ge [sflag:s8], $0x200  }
0xa9: {  	[sflag:s8] =	ssyncset.done $0x0  }
0xaa: {  	[sflag:s8] =	ssyncadd.s32 $0xFFFFFE00  }
0xab: {  	_ =	swait.ge [sflag:s8], $0x200  }
0xac: {  	[sflag:s8] =	ssyncset.done $0x0  }
0xad: {  	[sflag:s8] =	ssyncadd.s32 $0xFFFFFE00  }
0xae: {  	_ =	swait.ge [sflag:s8], $0x200  }
0xaf: {  	[sflag:s8] =	ssyncset.done $0x0  }
0xb0: {  	[sflag:s8] =	ssyncadd.s32 $0xFFFFFE00  }
0xb1: {  	_ =	swait.ge [sflag:s8], $0x200  }
0xb2: {  	[sflag:s8] =	ssyncset.done $0x0  }
0xb3: {  	s22 =	simm.s32 $0x0;
	[sflag:s8] =	ssyncadd.s32 $0xFFFFFE00  }
0xb4: {  	v5 =	vld [tilespmem:s22+$0x7800]  }
0xb5: {  	v6 =	vld [tilespmem:s22+$0x7A00]  }
0xb6: {  	s30 =	simm.s32 $0x40;
	v7 =	vld [tilespmem:s22+$0x7C00]  }
.LBB2_6:
0xb7: {  	p0 =	sne.s32 s30, $0x7C0;
	v8 =	vld [tilespmem:s22+$0x7600];
	_ =	sdelay $0x4  }
.Ltmp2:
0xb8: {  	vm2 =	vgt.s32 v6, v7;
	vm1 =	vgt.s32 v8, v5;
	(pc) =	sbr.rel @p0 .LBB2_6-.Ltmp2, $4  }
0xb9: {  	s2 =	sshra.s32 s30, $0x2;
	v7 =	vsel vm2, v6, v7;
	v8 =	vsel vm1, v8, v5  }
0xba: {  	v5 =	vld [tilespmem:s2+$0x7800];
	vm1 =	vgt.s32 v8, v7  }
0xbb: {  	v6 =	vld [tilespmem:s2+$0x7A00];
	v8 =	vsel vm1, v8, v7  }
0xbc: {  	s30 =	sadd.s32 $0x40, s30;
	v7 =	vld [tilespmem:s2+$0x7C00];
	[tilespmem:s22+$0x7600] =	vst v8;
	s22 =	smov.u32 s2  }
0xbd: {  	v8 =	vld [tilespmem:s22+$0x7600];
	_ =	sdelay $0x4  }
0xbe: {  	vm2 =	vgt.s32 v6, v7;
	vm1 =	vgt.s32 v8, v5  }
0xbf: {  	v6 =	vsel vm2, v6, v7;
	v5 =	vsel vm1, v8, v5  }
0xc0: {  	vm1 =	vgt.s32 v5, v6  }
0xc1: {  	v5 =	vsel vm1, v5, v6  }
0xc2: {  	[tilespmem:s22+$0x7600] =	vst v5  }
0xc3: {  	_ =	strace $0x9000004B  }
0xc4: {  	_ =	strace $0x8000004C  }
0xc5: {  	_ =	swait.ge [sflag:s3], $0x8000  }
0xc6: {  	[sflag:s3] =	ssyncset.done $0x0  }
0xc7: {  	[sflag:s3] =	ssyncadd.s32 $0xFFFF8000  }
0xc8: {  	[tilespmem:s21], [sflag:$0x1] =	stream.indirect.gather [hbm4b:s1+s20], $0x80, s29, s20, $0x2000b8;
	[tilespmem:$0x1E200] =	vst v63  }
0xc9: {  	_ =	swait.ge [sflag:s4], $0x8000  }
0xca: {  	[sflag:s4] =	ssyncset.done $0x0  }
0xcb: {  	[sflag:s4] =	ssyncadd.s32 $0xFFFF8000  }
0xcc: {  	[tilespmem:s23], [sflag:$0x2] =	stream.indirect.gather [hbm4b:s1+s20], $0x80, s5, s20, $0x2000b8;
	[tilespmem:$0x1E200] =	vst v63  }
0xcd: {  	_ =	swait.ge [sflag:s25], $0x8000  }
0xce: {  	[sflag:s25] =	ssyncset.done $0x0  }
0xcf: {  	[sflag:s25] =	ssyncadd.s32 $0xFFFF8000  }
0xd0: {  	[hbm4b:s15+s7] =	stream.linear.scatter [tilespmem:s21], [sflag:$0x3], $0x8000, $0x200038;
	[tilespmem:$0x1E200] =	vst v63  }
0xd1: {  	_ =	swait.ge [sflag:s26], $0x8000  }
0xd2: {  	[sflag:s26] =	ssyncset.done $0x0  }
0xd3: {  	[sflag:s26] =	ssyncadd.s32 $0xFFFF8000  }
0xd4: {  	[hbm4b:s16+s7] =	stream.linear.scatter [tilespmem:s23], [sflag:$0x6], $0x8000, $0x200038;
	[tilespmem:$0x1E200] =	vst v63  }
0xd5: {  	s6 =	sadd.s32 $0x1, s6;
	_ =	swait.ge [sflag:s19], $0x8000  }
0xd6: {  	p0 =	sne.s32 s6, s17;
	[sflag:s19] =	ssyncset.done $0x0  }
.Ltmp3:
0xd7: {  	[sflag:s19] =	ssyncadd.s32 $0xFFFF8000;
	(pc) =	sbr.rel @p0 .LBB2_1-.Ltmp3, $4  }
0xd8: {  	_ =	swait.ge [sflag:s3], $0x8000  }
0xd9: {  	[sflag:s3] =	ssyncset.done $0x0  }
0xda: {  	[sflag:s3] =	ssyncadd.s32 $0xFFFF8000  }
0xdb: {  	_ =	strace $0x9000004C  }
0xdc: {  	_ =	sfence.sel $0x180000  }
0xdd: {  	[bflag:$0x0] =	sbarrier.arrive $0xFFFF  }
0xde: {  	_ =	strace $0x90000047  }
0xdf: {  	s0 =	stileid.u32;
	[bflag:$0x2] =	sbarrier.arrive $0xFFFF  }
0xe0: {  	p0 =	sne.s32 s0, $0x0;
	s0 =	rddreg [dreg:$0x9]  }
0xe1: {  	s0 =	sadd.s32 @!p0 $0x100000, s0  }
0xe2: {  	[sflag:s0] =	ssyncadd.tile.s32 @!p0 $0x1;
	_ =	shalt  }
.Lfunc_end2:
_tile_overlayer_lowered:
.L_overlay_start_2:
0xe3: {  	(tag) =	ssettag $0x2  }
0xe4: {  	s0 =	rddreg [dreg:$0x0];
	s2 =	stileid.u32  }
0xe5: {  	s1 =	rddreg [dreg:$0x1];
	p0 =	sne.s32 s2, $0x0  }
0xe6: {  	s3 =	rddreg [dreg:$0x2];
	[bflag:$0x3] =	sbarrier.arrive $0xFFFF;
	s2 =	simm.s32 @!p0 $0x1C06  }
0xe7: {  	[timem:s3], [sflag:s2] =	dma.local @!p0 [hbm:s0], s1  }
0xe8: {  	s0 =	simm.s32 @!p0 $0x6  }
0xe9: {  	_ =	swait.ge @!p0 [sflag:s0], s1  }
0xea: {  	s1 =	ssub.s32 @!p0 $0x0, s1;
	[sflag:s0] =	ssyncset.done @!p0 $0x0  }
0xeb: {  	[sflag:s0] =	ssyncadd.s32 @!p0 s1  }
0xec: {  	[bflag:$0x3] =	sbarrier.arrive $0xFFFF  }
0xed: {  	_ =	shalt  }

</sc_bundles>
